<compile_context>
chip_gen: v7x
topology: tpu7x:2x2x1
jax: 0.10.2.dev20260603
libtpu: 0.0.44.dev20260713+nightly
codegen_flags: <defaults>
</compile_context>

<pallas_src>
import functools

import jax
import jax.numpy as jnp
from jax import lax
from jax.experimental import pallas as pl
from jax.experimental.pallas import tpu as pltpu
from jax.experimental.pallas import tpu_sc as plsc

N = 1_000_000
NW = 32
CH = 31_248
CH_LAST = 31_312
COPY = CH_LAST
NV = CH // 16
NV_LAST = CH_LAST // 16
NV_MAIN = 1952
NVH = 976
CHH = NVH * 16
COPY2 = COPY - CHH
NEG_INF = float("-inf")
FLAG = 1234567.0
POLL_MAX = 32

_mesh = plsc.VectorSubcoreMesh(core_axis_name="c", subcore_axis_name="s")


def _lane_max(vec):
    r = vec[0]
    for l in range(1, 16):
        r = jnp.maximum(r, vec[l])
    return r


def _lane_sum(vec):
    r = vec[0]
    for l in range(1, 16):
        r = r + vec[l]
    return r


@functools.partial(
    pl.kernel,
    mesh=_mesh,
    out_type=[
        jax.ShapeDtypeStruct((N,), jnp.float32),
        jax.ShapeDtypeStruct((NW, 16), jnp.float32),
        jax.ShapeDtypeStruct((NW, 16), jnp.float32),
        jax.ShapeDtypeStruct((2, 16), jnp.float32),
    ],
    scratch_types=[
        pltpu.VMEM((COPY,), jnp.float32),
        pltpu.VMEM((16,), jnp.float32),
        pltpu.VMEM((16,), jnp.float32),
        pltpu.VMEM((16,), jnp.float32),
        pltpu.VMEM((16,), jnp.float32),
        pltpu.VMEM((NW, 16), jnp.float32),
        pltpu.VMEM((NW, 16), jnp.float32),
        pltpu.SemaphoreType.DMA,
        pltpu.SemaphoreType.DMA,
    ],
)
def _softmax_sc(x_hbm, y_hbm, m_hbm, s_hbm, f_hbm,
                xv, mstage, sstage, fstage, fv, pvm, pvs, sem0, sem1):
    cid = lax.axis_index("c")
    sid = lax.axis_index("s")
    wid = sid * 2 + cid
    base = wid * CH
    nv = jnp.where(wid == NW - 1, NV_LAST, NV)

    fv[...] = jnp.zeros((16,), jnp.float32)

    @pl.when(sid == 0)
    def _reset_flag():
        fstage[...] = jnp.zeros((16,), jnp.float32)
        pltpu.sync_copy(fstage, f_hbm.at[cid])

    cp0 = pltpu.async_copy(x_hbm.at[pl.ds(base, CHH)], xv.at[pl.ds(0, CHH)],
                           sem0)
    cp1 = pltpu.async_copy(x_hbm.at[pl.ds(base + CHH, COPY2)],
                           xv.at[pl.ds(CHH, COPY2)], sem1)
    cp0.wait()

    ninf = jnp.full((16,), NEG_INF, jnp.float32)

    @plsc.parallel_loop(0, NVH, 8, carry=(ninf, ninf, ninf, ninf))
    def mx_half0(i, accs):
        a0, a1, a2, a3 = accs
        b = i * 16
        a0 = jnp.maximum(jnp.maximum(a0, xv[pl.ds(b, 16)]),
                         xv[pl.ds(b + 64, 16)])
        a1 = jnp.maximum(jnp.maximum(a1, xv[pl.ds(b + 16, 16)]),
                         xv[pl.ds(b + 80, 16)])
        a2 = jnp.maximum(jnp.maximum(a2, xv[pl.ds(b + 32, 16)]),
                         xv[pl.ds(b + 96, 16)])
        a3 = jnp.maximum(jnp.maximum(a3, xv[pl.ds(b + 48, 16)]),
                         xv[pl.ds(b + 112, 16)])
        return a0, a1, a2, a3

    cp1.wait()

    @plsc.parallel_loop(NVH, NV_MAIN, 8, carry=mx_half0)
    def mx_main(i, accs):
        a0, a1, a2, a3 = accs
        b = i * 16
        a0 = jnp.maximum(jnp.maximum(a0, xv[pl.ds(b, 16)]),
                         xv[pl.ds(b + 64, 16)])
        a1 = jnp.maximum(jnp.maximum(a1, xv[pl.ds(b + 16, 16)]),
                         xv[pl.ds(b + 80, 16)])
        a2 = jnp.maximum(jnp.maximum(a2, xv[pl.ds(b + 32, 16)]),
                         xv[pl.ds(b + 96, 16)])
        a3 = jnp.maximum(jnp.maximum(a3, xv[pl.ds(b + 48, 16)]),
                         xv[pl.ds(b + 112, 16)])
        return a0, a1, a2, a3

    a0, a1, a2, a3 = mx_main

    def mx_tail(i, acc):
        return jnp.maximum(acc, xv[pl.ds(i * 16, 16)])

    a0 = lax.fori_loop(NV_MAIN, nv, mx_tail, a0)
    mvec = jnp.maximum(jnp.maximum(a0, a1), jnp.maximum(a2, a3))

    zero = jnp.zeros((16,), jnp.float32)

    @plsc.parallel_loop(0, NV_MAIN, 8, carry=(zero, zero, zero, zero))
    def sum_main(i, accs):
        a0, a1, a2, a3 = accs
        b = i * 16
        a0 = a0 + jnp.exp(xv[pl.ds(b, 16)] - mvec) \
                + jnp.exp(xv[pl.ds(b + 64, 16)] - mvec)
        a1 = a1 + jnp.exp(xv[pl.ds(b + 16, 16)] - mvec) \
                + jnp.exp(xv[pl.ds(b + 80, 16)] - mvec)
        a2 = a2 + jnp.exp(xv[pl.ds(b + 32, 16)] - mvec) \
                + jnp.exp(xv[pl.ds(b + 96, 16)] - mvec)
        a3 = a3 + jnp.exp(xv[pl.ds(b + 48, 16)] - mvec) \
                + jnp.exp(xv[pl.ds(b + 112, 16)] - mvec)
        return a0, a1, a2, a3

    s0, s1, s2, s3 = sum_main

    def sum_tail(i, acc):
        return acc + jnp.exp(xv[pl.ds(i * 16, 16)] - mvec)

    s0 = lax.fori_loop(NV_MAIN, nv, sum_tail, s0)
    svec = (s0 + s1) + (s2 + s3)

    mstage[...] = mvec
    sstage[...] = svec
    pltpu.sync_copy(mstage, m_hbm.at[wid])
    pltpu.sync_copy(sstage, s_hbm.at[wid])
    plsc.subcore_barrier()

    @pl.when(sid == 0)
    def _raise_flag():
        fstage[...] = jnp.full((16,), FLAG, jnp.float32)
        pltpu.sync_copy(fstage, f_hbm.at[cid])

    other = 1 - cid

    def poll_body(k, ready):
        @pl.when(jnp.logical_not(ready))
        def _():
            pltpu.sync_copy(f_hbm.at[other], fv)

        row = fv[...]
        return jnp.logical_or(ready, row[0] == FLAG)

    lax.fori_loop(0, POLL_MAX, poll_body, jnp.bool_(False))

    pltpu.sync_copy(m_hbm, pvm)
    pltpu.sync_copy(s_hbm, pvs)

    def gmax_body(i, acc):
        return jnp.maximum(acc, pvm[i])

    gmvec = lax.fori_loop(0, NW, gmax_body, jnp.full((16,), NEG_INF, jnp.float32))
    gm = _lane_max(gmvec)

    def gsum_body(i, acc):
        return acc + pvs[i] * jnp.exp(pvm[i] - gm)

    gsvec = lax.fori_loop(0, NW, gsum_body, jnp.zeros((16,), jnp.float32))
    gs = _lane_sum(gsvec)
    inv = jnp.full((16,), 1.0, jnp.float32) / jnp.broadcast_to(gs, (16,))
    gmv = jnp.broadcast_to(gm, (16,))

    @plsc.parallel_loop(0, NVH, 4)
    def norm_half0(i):
        b = i * 16
        for k in range(4):
            sl = pl.ds(b + k * 16, 16)
            xv[sl] = jnp.exp(xv[sl] - gmv) * inv

    st0 = pltpu.async_copy(xv.at[pl.ds(0, CHH)], y_hbm.at[pl.ds(base, CHH)],
                           sem0)

    @plsc.parallel_loop(NVH, NV_MAIN, 4)
    def norm_half1(i):
        b = i * 16
        for k in range(4):
            sl = pl.ds(b + k * 16, 16)
            xv[sl] = jnp.exp(xv[sl] - gmv) * inv

    def norm_tail(i, carry):
        sl = pl.ds(i * 16, 16)
        xv[sl] = jnp.exp(xv[sl] - gmv) * inv
        return carry

    lax.fori_loop(NV_MAIN, nv, norm_tail, 0)

    @pl.when(wid < NW - 1)
    def _store_main():
        pltpu.sync_copy(xv.at[pl.ds(CHH, CH - CHH)],
                        y_hbm.at[pl.ds(base + CHH, CH - CHH)])

    @pl.when(wid == NW - 1)
    def _store_last():
        pltpu.sync_copy(xv.at[pl.ds(CHH, CH_LAST - CHH)],
                        y_hbm.at[pl.ds(base + CHH, CH_LAST - CHH)])

    st0.wait()


def kernel(weights):
    y, _, _, _ = _softmax_sc(weights)
    return y

# --- scband reference (transcript-rebuilt; emitter-appended) ---
"""Pipeline reference for scband-weights-16492674417252 (READ-ONLY COPY).

The authoritative reference and input builder live on the scoring server;
editing this copy changes nothing except your own understanding.
"""

import jax, jax.numpy as jnp
import numpy as np

OPERATIONS = 1000000

def setup_inputs() -> dict:
    # nn.Parameter(torch.ones(operations) * (1 / operations))
    weights = jnp.ones((OPERATIONS,), dtype=jnp.float32) * (1.0 / OPERATIONS)
    return {"weights": weights}

def reference(weights):
    # forward(): return self.softmax(self.weights)
    # (module stores the learned logits 'weights' and returns their softmax,
    #  i.e. the categorical distribution over operations)
    return jax.nn.softmax(weights, axis=-1)

if __name__ == "__main__":
    import jax
    _d = setup_inputs()
    print(jax.jit(kernel)(*tuple(_d.values())))

</pallas_src>

<mosaic_0001>
#map = affine_map<(d0, d1) -> (0)>
#map1 = affine_map<(d0, d1) -> (0, 0)>
module attributes {stable_mosaic.version = 14 : i64} {
  func.func @_softmax_sc(%arg0: i32, %arg1: i32, %arg2: memref<1000000xf32, #tpu.memory_space<hbm>>, %arg3: memref<1000000xf32, #tpu.memory_space<hbm>>, %arg4: memref<32x16xf32, #tpu.memory_space<hbm>>, %arg5: memref<32x16xf32, #tpu.memory_space<hbm>>, %arg6: memref<2x16xf32, #tpu.memory_space<hbm>>, %arg7: memref<31312xf32, #tpu.memory_space<vmem>>, %arg8: memref<16xf32, #tpu.memory_space<vmem>>, %arg9: memref<16xf32, #tpu.memory_space<vmem>>, %arg10: memref<16xf32, #tpu.memory_space<vmem>>, %arg11: memref<16xf32, #tpu.memory_space<vmem>>, %arg12: memref<32x16xf32, #tpu.memory_space<vmem>>, %arg13: memref<32x16xf32, #tpu.memory_space<vmem>>, %arg14: memref<!tpu.dma_semaphore, #tpu.memory_space<semaphore_mem>>, %arg15: memref<!tpu.dma_semaphore, #tpu.memory_space<semaphore_mem>>) attributes {dimension_semantics = [#tpu.dimension_semantics<core_parallel>, #tpu.dimension_semantics<subcore_parallel>], iteration_bounds = array<i64: 2, 16>, scalar_prefetch = 0 : i64, scratch_operands = 9 : i64, tpu.core_type = #tpu.core_type<sc_vector_subcore>, window_params = [{transform_indices = #map}, {transform_indices = #map}, {transform_indices = #map1}, {transform_indices = #map1}, {transform_indices = #map1}]} {
    %mul3A = arith.constant 2 : i32
    %mul3A_0 = arith.muli %arg1, %mul3A : i32
    %add3A = arith.addi %mul3A_0, %arg0 : i32
    %mul3A_1 = arith.constant 31248 : i32
    %mul3A_2 = arith.muli %add3A, %mul3A_1 : i32
    %eq3A = arith.constant 31 : i32
    %eq3A_3 = arith.cmpi eq, %add3A, %eq3A : i32
    %jit3A = arith.constant 1957 : i32
    %jit3A_4 = arith.constant 1953 : i32
    %select_n3A = arith.select %eq3A_3, %jit3A, %jit3A_4 : i32
    %broadcast_in_dim3A = arith.constant 0.000000e+00 : f32
    %broadcast_in_dim3A_5 = vector.broadcast %broadcast_in_dim3A : f32 to vector<16xf32>
    %swap3A = arith.constant 0 : index
    %swap3A_6 = tpu.vector_load %arg11[%swap3A] {strides = array<i32>} : memref<16xf32, #tpu.memory_space<vmem>>, vector<16xf32>,
    %swap3A_7 = vector.shape_cast %swap3A_6 : vector<16xf32> to vector<16xf32>
    %swap3A_8 = vector.shape_cast %broadcast_in_dim3A_5 : vector<16xf32> to vector<16xf32>
    tpu.vector_store %arg11[%swap3A], %swap3A_8 {strides = array<i32>} : memref<16xf32, #tpu.memory_space<vmem>>, vector<16xf32>,
    %eq3A_9 = arith.constant 0 : i32
    %eq3A_10 = arith.cmpi eq, %arg1, %eq3A_9 : i32
    %convert_element_type3A = arith.extui %eq3A_10 : i1 to i32
    %cond3A = arith.constant 0 : i32
    %cond3A_11 = arith.cmpi ne, %convert_element_type3A, %cond3A : i32
    scf.if %cond3A_11 {
      %broadcast_in_dim3A_246 = arith.constant 0.000000e+00 : f32
      %broadcast_in_dim3A_247 = vector.broadcast %broadcast_in_dim3A_246 : f32 to vector<16xf32>
      %swap3A_248 = arith.constant 0 : index
      %swap3A_249 = tpu.vector_load %arg10[%swap3A_248] {strides = array<i32>} : memref<16xf32, #tpu.memory_space<vmem>>, vector<16xf32>,
      %swap3A_250 = vector.shape_cast %swap3A_249 : vector<16xf32> to vector<16xf32>
      %swap3A_251 = vector.shape_cast %broadcast_in_dim3A_247 : vector<16xf32> to vector<16xf32>
      tpu.vector_store %arg10[%swap3A_248], %swap3A_251 {strides = array<i32>} : memref<16xf32, #tpu.memory_space<vmem>>, vector<16xf32>,
      "tpu.region"() ({
        %run_scoped3A = tpu.sem_alloc : memref<!tpu.dma_semaphore, #tpu.memory_space<semaphore_mem>>
        %dma_start3A_252 = arith.constant 0 : i32
        %dma_start3A_253 = tpu.memref_slice %arg6[%arg0, %dma_start3A_252] : memref<2x16xf32, #tpu.memory_space<hbm>> -> memref<1x16xf32, #tpu.memory_space<hbm>>
        %dma_start3A_254 = tpu.memref_squeeze %dma_start3A_253 : memref<1x16xf32, #tpu.memory_space<hbm>> -> memref<16xf32, #tpu.memory_space<hbm>>
        %dma_start3A_255 = arith.constant 0 : i32
        %dma_start3A_256 = tpu.memref_slice %arg6[%arg0, %dma_start3A_255] : memref<2x16xf32, #tpu.memory_space<hbm>> -> memref<1x16xf32, #tpu.memory_space<hbm>>
        %dma_start3A_257 = tpu.memref_squeeze %dma_start3A_256 : memref<1x16xf32, #tpu.memory_space<hbm>> -> memref<16xf32, #tpu.memory_space<hbm>>
        tpu.enqueue_dma source(%arg10 : memref<16xf32, #tpu.memory_space<vmem>>) target(%dma_start3A_257 : memref<16xf32, #tpu.memory_space<hbm>>) target_semaphore(%run_scoped3A : memref<!tpu.dma_semaphore, #tpu.memory_space<semaphore_mem>>)
        %dma_wait3A_258 = arith.constant 0 : i32
        %dma_wait3A_259 = tpu.memref_slice %arg6[%arg0, %dma_wait3A_258] : memref<2x16xf32, #tpu.memory_space<hbm>> -> memref<1x16xf32, #tpu.memory_space<hbm>>
        %dma_wait3A_260 = tpu.memref_squeeze %dma_wait3A_259 : memref<1x16xf32, #tpu.memory_space<hbm>> -> memref<16xf32, #tpu.memory_space<hbm>>
        %dma_wait3A_261 = arith.constant 0 : i32
        %dma_wait3A_262 = tpu.memref_slice %arg6[%arg0, %dma_wait3A_261] : memref<2x16xf32, #tpu.memory_space<hbm>> -> memref<1x16xf32, #tpu.memory_space<hbm>>
        %dma_wait3A_263 = tpu.memref_squeeze %dma_wait3A_262 : memref<1x16xf32, #tpu.memory_space<hbm>> -> memref<16xf32, #tpu.memory_space<hbm>>
        tpu.wait_dma2 semaphore(%run_scoped3A : memref<!tpu.dma_semaphore, #tpu.memory_space<semaphore_mem>>) src(%arg10 : memref<16xf32, #tpu.memory_space<vmem>>) dst(%dma_wait3A_263 : memref<16xf32, #tpu.memory_space<hbm>>)
        tpu.yield
      }) : () -> ()
    } else {
    }
    %dma_start3A = arith.constant 0 : i32
    %dma_start3A_12 = tpu.memref_slice %arg7[%dma_start3A] : memref<31312xf32, #tpu.memory_space<vmem>> -> memref<15616xf32, #tpu.memory_space<vmem>>
    %dma_start3A_13 = tpu.memref_slice %arg2[%mul3A_2] : memref<1000000xf32, #tpu.memory_space<hbm>> -> memref<15616xf32, #tpu.memory_space<hbm>>
    %dma_start3A_14 = arith.constant 0 : i32
    %dma_start3A_15 = tpu.memref_slice %arg7[%dma_start3A_14] : memref<31312xf32, #tpu.memory_space<vmem>> -> memref<15616xf32, #tpu.memory_space<vmem>>
    %dma_start3A_16 = tpu.memref_slice %arg2[%mul3A_2] : memref<1000000xf32, #tpu.memory_space<hbm>> -> memref<15616xf32, #tpu.memory_space<hbm>>
    tpu.enqueue_dma source(%dma_start3A_16 : memref<15616xf32, #tpu.memory_space<hbm>>) target(%dma_start3A_15 : memref<15616xf32, #tpu.memory_space<vmem>>) target_semaphore(%arg14 : memref<!tpu.dma_semaphore, #tpu.memory_space<semaphore_mem>>)
    %add3A_17 = arith.constant 15616 : i32
    %add3A_18 = arith.addi %mul3A_2, %add3A_17 : i32
    %dma_start3A_19 = arith.constant 15616 : i32
    %dma_start3A_20 = tpu.memref_slice %arg7[%dma_start3A_19] : memref<31312xf32, #tpu.memory_space<vmem>> -> memref<15696xf32, #tpu.memory_space<vmem>>
    %dma_start3A_21 = tpu.memref_slice %arg2[%add3A_18] : memref<1000000xf32, #tpu.memory_space<hbm>> -> memref<15696xf32, #tpu.memory_space<hbm>>
    %dma_start3A_22 = arith.constant 15616 : i32
    %dma_start3A_23 = tpu.memref_slice %arg7[%dma_start3A_22] : memref<31312xf32, #tpu.memory_space<vmem>> -> memref<15696xf32, #tpu.memory_space<vmem>>
    %dma_start3A_24 = tpu.memref_slice %arg2[%add3A_18] : memref<1000000xf32, #tpu.memory_space<hbm>> -> memref<15696xf32, #tpu.memory_space<hbm>>
    tpu.enqueue_dma source(%dma_start3A_24 : memref<15696xf32, #tpu.memory_space<hbm>>) target(%dma_start3A_23 : memref<15696xf32, #tpu.memory_space<vmem>>) target_semaphore(%arg15 : memref<!tpu.dma_semaphore, #tpu.memory_space<semaphore_mem>>)
    %dma_wait3A = arith.constant 0 : i32
    %dma_wait3A_25 = tpu.memref_slice %arg7[%dma_wait3A] : memref<31312xf32, #tpu.memory_space<vmem>> -> memref<15616xf32, #tpu.memory_space<vmem>>
    %dma_wait3A_26 = tpu.memref_slice %arg2[%mul3A_2] : memref<1000000xf32, #tpu.memory_space<hbm>> -> memref<15616xf32, #tpu.memory_space<hbm>>
    %dma_wait3A_27 = arith.constant 0 : i32
    %dma_wait3A_28 = tpu.memref_slice %arg7[%dma_wait3A_27] : memref<31312xf32, #tpu.memory_space<vmem>> -> memref<15616xf32, #tpu.memory_space<vmem>>
    %dma_wait3A_29 = tpu.memref_slice %arg2[%mul3A_2] : memref<1000000xf32, #tpu.memory_space<hbm>> -> memref<15616xf32, #tpu.memory_space<hbm>>
    tpu.wait_dma2 semaphore(%arg14 : memref<!tpu.dma_semaphore, #tpu.memory_space<semaphore_mem>>) src(%dma_wait3A_29 : memref<15616xf32, #tpu.memory_space<hbm>>) dst(%dma_wait3A_28 : memref<15616xf32, #tpu.memory_space<vmem>>)
    %broadcast_in_dim3A_30 = arith.constant 0xFF800000 : f32
    %broadcast_in_dim3A_31 = vector.broadcast %broadcast_in_dim3A_30 : f32 to vector<16xf32>
    %parallel_loop3A = arith.constant 0 : i32
    %parallel_loop3A_32 = arith.constant 976 : i32
    %parallel_loop3A_33 = arith.constant 8 : i32
    %parallel_loop3A_34:4 = scf.for %parallel_loop3A_246 = %parallel_loop3A to %parallel_loop3A_32 step %parallel_loop3A_33 iter_args(%parallel_loop3A_247 = %broadcast_in_dim3A_31, %parallel_loop3A_248 = %broadcast_in_dim3A_31, %parallel_loop3A_249 = %broadcast_in_dim3A_31, %parallel_loop3A_250 = %broadcast_in_dim3A_31) -> (vector<16xf32>, vector<16xf32>, vector<16xf32>, vector<16xf32>)  : i32 {
      %parallel_loop3A_251 = arith.constant 16 : i32
      %parallel_loop3A_252 = arith.muli %parallel_loop3A_246, %parallel_loop3A_251 : i32
      %parallel_loop3A_253 = arith.index_cast %parallel_loop3A_252 : i32 to index
      %parallel_loop3A_254 = tpu.vector_load %arg7[%parallel_loop3A_253] {strides = array<i32>} : memref<31312xf32, #tpu.memory_space<vmem>>, vector<16xf32>,
      %parallel_loop3A_255 = vector.shape_cast %parallel_loop3A_254 : vector<16xf32> to vector<16xf32>
      %parallel_loop3A_256 = arith.maximumf %parallel_loop3A_247, %parallel_loop3A_255 : vector<16xf32>
      %parallel_loop3A_257 = arith.constant 64 : i32
      %parallel_loop3A_258 = arith.addi %parallel_loop3A_252, %parallel_loop3A_257 : i32
      %parallel_loop3A_259 = arith.index_cast %parallel_loop3A_258 : i32 to index
      %parallel_loop3A_260 = tpu.vector_load %arg7[%parallel_loop3A_259] {strides = array<i32>} : memref<31312xf32, #tpu.memory_space<vmem>>, vector<16xf32>,
      %parallel_loop3A_261 = vector.shape_cast %parallel_loop3A_260 : vector<16xf32> to vector<16xf32>
      %parallel_loop3A_262 = arith.maximumf %parallel_loop3A_256, %parallel_loop3A_261 : vector<16xf32>
      %parallel_loop3A_263 = arith.constant 16 : i32
      %parallel_loop3A_264 = arith.addi %parallel_loop3A_252, %parallel_loop3A_263 : i32
      %parallel_loop3A_265 = arith.index_cast %parallel_loop3A_264 : i32 to index
      %parallel_loop3A_266 = tpu.vector_load %arg7[%parallel_loop3A_265] {strides = array<i32>} : memref<31312xf32, #tpu.memory_space<vmem>>, vector<16xf32>,
      %parallel_loop3A_267 = vector.shape_cast %parallel_loop3A_266 : vector<16xf32> to vector<16xf32>
      %parallel_loop3A_268 = arith.maximumf %parallel_loop3A_248, %parallel_loop3A_267 : vector<16xf32>
      %parallel_loop3A_269 = arith.constant 80 : i32
      %parallel_loop3A_270 = arith.addi %parallel_loop3A_252, %parallel_loop3A_269 : i32
      %parallel_loop3A_271 = arith.index_cast %parallel_loop3A_270 : i32 to index
      %parallel_loop3A_272 = tpu.vector_load %arg7[%parallel_loop3A_271] {strides = array<i32>} : memref<31312xf32, #tpu.memory_space<vmem>>, vector<16xf32>,
      %parallel_loop3A_273 = vector.shape_cast %parallel_loop3A_272 : vector<16xf32> to vector<16xf32>
      %parallel_loop3A_274 = arith.maximumf %parallel_loop3A_268, %parallel_loop3A_273 : vector<16xf32>
      %parallel_loop3A_275 = arith.constant 32 : i32
      %parallel_loop3A_276 = arith.addi %parallel_loop3A_252, %parallel_loop3A_275 : i32
      %parallel_loop3A_277 = arith.index_cast %parallel_loop3A_276 : i32 to index
      %parallel_loop3A_278 = tpu.vector_load %arg7[%parallel_loop3A_277] {strides = array<i32>} : memref<31312xf32, #tpu.memory_space<vmem>>, vector<16xf32>,
      %parallel_loop3A_279 = vector.shape_cast %parallel_loop3A_278 : vector<16xf32> to vector<16xf32>
      %parallel_loop3A_280 = arith.maximumf %parallel_loop3A_249, %parallel_loop3A_279 : vector<16xf32>
      %parallel_loop3A_281 = arith.constant 96 : i32
      %parallel_loop3A_282 = arith.addi %parallel_loop3A_252, %parallel_loop3A_281 : i32
      %parallel_loop3A_283 = arith.index_cast %parallel_loop3A_282 : i32 to index
      %parallel_loop3A_284 = tpu.vector_load %arg7[%parallel_loop3A_283] {strides = array<i32>} : memref<31312xf32, #tpu.memory_space<vmem>>, vector<16xf32>,
      %parallel_loop3A_285 = vector.shape_cast %parallel_loop3A_284 : vector<16xf32> to vector<16xf32>
      %parallel_loop3A_286 = arith.maximumf %parallel_loop3A_280, %parallel_loop3A_285 : vector<16xf32>
      %parallel_loop3A_287 = arith.constant 48 : i32
      %parallel_loop3A_288 = arith.addi %parallel_loop3A_252, %parallel_loop3A_287 : i32
      %parallel_loop3A_289 = arith.index_cast %parallel_loop3A_288 : i32 to index
      %parallel_loop3A_290 = tpu.vector_load %arg7[%parallel_loop3A_289] {strides = array<i32>} : memref<31312xf32, #tpu.memory_space<vmem>>, vector<16xf32>,
      %parallel_loop3A_291 = vector.shape_cast %parallel_loop3A_290 : vector<16xf32> to vector<16xf32>
      %parallel_loop3A_292 = arith.maximumf %parallel_loop3A_250, %parallel_loop3A_291 : vector<16xf32>
      %parallel_loop3A_293 = arith.constant 112 : i32
      %parallel_loop3A_294 = arith.addi %parallel_loop3A_252, %parallel_loop3A_293 : i32
      %parallel_loop3A_295 = arith.index_cast %parallel_loop3A_294 : i32 to index
      %parallel_loop3A_296 = tpu.vector_load %arg7[%parallel_loop3A_295] {strides = array<i32>} : memref<31312xf32, #tpu.memory_space<vmem>>, vector<16xf32>,
      %parallel_loop3A_297 = vector.shape_cast %parallel_loop3A_296 : vector<16xf32> to vector<16xf32>
      %parallel_loop3A_298 = arith.maximumf %parallel_loop3A_292, %parallel_loop3A_297 : vector<16xf32>
      scf.yield %parallel_loop3A_262, %parallel_loop3A_274, %parallel_loop3A_286, %parallel_loop3A_298 : vector<16xf32>, vector<16xf32>, vector<16xf32>, vector<16xf32>
    } {sc.loop_unroll_factor = 1 : i64, sc.parallel_access}
    %dma_wait3A_35 = arith.constant 15616 : i32
    %dma_wait3A_36 = tpu.memref_slice %arg7[%dma_wait3A_35] : memref<31312xf32, #tpu.memory_space<vmem>> -> memref<15696xf32, #tpu.memory_space<vmem>>
    %dma_wait3A_37 = tpu.memref_slice %arg2[%add3A_18] : memref<1000000xf32, #tpu.memory_space<hbm>> -> memref<15696xf32, #tpu.memory_space<hbm>>
    %dma_wait3A_38 = arith.constant 15616 : i32
    %dma_wait3A_39 = tpu.memref_slice %arg7[%dma_wait3A_38] : memref<31312xf32, #tpu.memory_space<vmem>> -> memref<15696xf32, #tpu.memory_space<vmem>>
    %dma_wait3A_40 = tpu.memref_slice %arg2[%add3A_18] : memref<1000000xf32, #tpu.memory_space<hbm>> -> memref<15696xf32, #tpu.memory_space<hbm>>
    tpu.wait_dma2 semaphore(%arg15 : memref<!tpu.dma_semaphore, #tpu.memory_space<semaphore_mem>>) src(%dma_wait3A_40 : memref<15696xf32, #tpu.memory_space<hbm>>) dst(%dma_wait3A_39 : memref<15696xf32, #tpu.memory_space<vmem>>)
    %parallel_loop3A_41 = arith.constant 976 : i32
    %parallel_loop3A_42 = arith.constant 1952 : i32
    %parallel_loop3A_43 = arith.constant 8 : i32
    %parallel_loop3A_44:4 = scf.for %parallel_loop3A_246 = %parallel_loop3A_41 to %parallel_loop3A_42 step %parallel_loop3A_43 iter_args(%parallel_loop3A_247 = %parallel_loop3A_34#0, %parallel_loop3A_248 = %parallel_loop3A_34#1, %parallel_loop3A_249 = %parallel_loop3A_34#2, %parallel_loop3A_250 = %parallel_loop3A_34#3) -> (vector<16xf32>, vector<16xf32>, vector<16xf32>, vector<16xf32>)  : i32 {
      %parallel_loop3A_251 = arith.constant 16 : i32
      %parallel_loop3A_252 = arith.muli %parallel_loop3A_246, %parallel_loop3A_251 : i32
      %parallel_loop3A_253 = arith.index_cast %parallel_loop3A_252 : i32 to index
      %parallel_loop3A_254 = tpu.vector_load %arg7[%parallel_loop3A_253] {strides = array<i32>} : memref<31312xf32, #tpu.memory_space<vmem>>, vector<16xf32>,
      %parallel_loop3A_255 = vector.shape_cast %parallel_loop3A_254 : vector<16xf32> to vector<16xf32>
      %parallel_loop3A_256 = arith.maximumf %parallel_loop3A_247, %parallel_loop3A_255 : vector<16xf32>
      %parallel_loop3A_257 = arith.constant 64 : i32
      %parallel_loop3A_258 = arith.addi %parallel_loop3A_252, %parallel_loop3A_257 : i32
      %parallel_loop3A_259 = arith.index_cast %parallel_loop3A_258 : i32 to index
      %parallel_loop3A_260 = tpu.vector_load %arg7[%parallel_loop3A_259] {strides = array<i32>} : memref<31312xf32, #tpu.memory_space<vmem>>, vector<16xf32>,
      %parallel_loop3A_261 = vector.shape_cast %parallel_loop3A_260 : vector<16xf32> to vector<16xf32>
      %parallel_loop3A_262 = arith.maximumf %parallel_loop3A_256, %parallel_loop3A_261 : vector<16xf32>
      %parallel_loop3A_263 = arith.constant 16 : i32
      %parallel_loop3A_264 = arith.addi %parallel_loop3A_252, %parallel_loop3A_263 : i32
      %parallel_loop3A_265 = arith.index_cast %parallel_loop3A_264 : i32 to index
      %parallel_loop3A_266 = tpu.vector_load %arg7[%parallel_loop3A_265] {strides = array<i32>} : memref<31312xf32, #tpu.memory_space<vmem>>, vector<16xf32>,
      %parallel_loop3A_267 = vector.shape_cast %parallel_loop3A_266 : vector<16xf32> to vector<16xf32>
      %parallel_loop3A_268 = arith.maximumf %parallel_loop3A_248, %parallel_loop3A_267 : vector<16xf32>
      %parallel_loop3A_269 = arith.constant 80 : i32
      %parallel_loop3A_270 = arith.addi %parallel_loop3A_252, %parallel_loop3A_269 : i32
      %parallel_loop3A_271 = arith.index_cast %parallel_loop3A_270 : i32 to index
      %parallel_loop3A_272 = tpu.vector_load %arg7[%parallel_loop3A_271] {strides = array<i32>} : memref<31312xf32, #tpu.memory_space<vmem>>, vector<16xf32>,
      %parallel_loop3A_273 = vector.shape_cast %parallel_loop3A_272 : vector<16xf32> to vector<16xf32>
      %parallel_loop3A_274 = arith.maximumf %parallel_loop3A_268, %parallel_loop3A_273 : vector<16xf32>
      %parallel_loop3A_275 = arith.constant 32 : i32
      %parallel_loop3A_276 = arith.addi %parallel_loop3A_252, %parallel_loop3A_275 : i32
      %parallel_loop3A_277 = arith.index_cast %parallel_loop3A_276 : i32 to index
      %parallel_loop3A_278 = tpu.vector_load %arg7[%parallel_loop3A_277] {strides = array<i32>} : memref<31312xf32, #tpu.memory_space<vmem>>, vector<16xf32>,
      %parallel_loop3A_279 = vector.shape_cast %parallel_loop3A_278 : vector<16xf32> to vector<16xf32>
      %parallel_loop3A_280 = arith.maximumf %parallel_loop3A_249, %parallel_loop3A_279 : vector<16xf32>
      %parallel_loop3A_281 = arith.constant 96 : i32
      %parallel_loop3A_282 = arith.addi %parallel_loop3A_252, %parallel_loop3A_281 : i32
      %parallel_loop3A_283 = arith.index_cast %parallel_loop3A_282 : i32 to index
      %parallel_loop3A_284 = tpu.vector_load %arg7[%parallel_loop3A_283] {strides = array<i32>} : memref<31312xf32, #tpu.memory_space<vmem>>, vector<16xf32>,
      %parallel_loop3A_285 = vector.shape_cast %parallel_loop3A_284 : vector<16xf32> to vector<16xf32>
      %parallel_loop3A_286 = arith.maximumf %parallel_loop3A_280, %parallel_loop3A_285 : vector<16xf32>
      %parallel_loop3A_287 = arith.constant 48 : i32
      %parallel_loop3A_288 = arith.addi %parallel_loop3A_252, %parallel_loop3A_287 : i32
      %parallel_loop3A_289 = arith.index_cast %parallel_loop3A_288 : i32 to index
      %parallel_loop3A_290 = tpu.vector_load %arg7[%parallel_loop3A_289] {strides = array<i32>} : memref<31312xf32, #tpu.memory_space<vmem>>, vector<16xf32>,
      %parallel_loop3A_291 = vector.shape_cast %parallel_loop3A_290 : vector<16xf32> to vector<16xf32>
      %parallel_loop3A_292 = arith.maximumf %parallel_loop3A_250, %parallel_loop3A_291 : vector<16xf32>
      %parallel_loop3A_293 = arith.constant 112 : i32
      %parallel_loop3A_294 = arith.addi %parallel_loop3A_252, %parallel_loop3A_293 : i32
      %parallel_loop3A_295 = arith.index_cast %parallel_loop3A_294 : i32 to index
      %parallel_loop3A_296 = tpu.vector_load %arg7[%parallel_loop3A_295] {strides = array<i32>} : memref<31312xf32, #tpu.memory_space<vmem>>, vector<16xf32>,
      %parallel_loop3A_297 = vector.shape_cast %parallel_loop3A_296 : vector<16xf32> to vector<16xf32>
      %parallel_loop3A_298 = arith.maximumf %parallel_loop3A_292, %parallel_loop3A_297 : vector<16xf32>
      scf.yield %parallel_loop3A_262, %parallel_loop3A_274, %parallel_loop3A_286, %parallel_loop3A_298 : vector<16xf32>, vector<16xf32>, vector<16xf32>, vector<16xf32>
    } {sc.loop_unroll_factor = 1 : i64, sc.parallel_access}
    %while3A = arith.constant 1952 : i32
    %while3A_45 = arith.subi %select_n3A, %while3A : i32
    %while3A_46 = arith.addi %while3A, %while3A_45 : i32
    %while3A_47 = arith.constant 1 : i32
    %while3A_48 = arith.divsi %while3A_45, %while3A_47 : i32
    %while3A_49 = arith.muli %while3A_48, %while3A_47 : i32
    %while3A_50 = arith.addi %while3A, %while3A_49 : i32
    %while3A_51 = arith.constant 1 : i32
    %while3A_52 = scf.for %while3A_246 = %while3A to %while3A_50 step %while3A_51 iter_args(%while3A_247 = %parallel_loop3A_44#0) -> (vector<16xf32>)  : i32 {
      %mul3A_248 = arith.constant 16 : i32
      %mul3A_249 = arith.muli %while3A_246, %mul3A_248 : i32
      %get3A = arith.index_cast %mul3A_249 : i32 to index
      %get3A_250 = tpu.vector_load %arg7[%get3A] {strides = array<i32>} : memref<31312xf32, #tpu.memory_space<vmem>>, vector<16xf32>,
      %get3A_251 = vector.shape_cast %get3A_250 : vector<16xf32> to vector<16xf32>
      %max3A_252 = arith.maximumf %while3A_247, %get3A_251 : vector<16xf32>
      scf.yield %max3A_252 : vector<16xf32>
    }
    %while3A_53 = arith.constant 1 : i32
    %while3A_54 = scf.for %while3A_246 = %while3A_50 to %while3A_46 step %while3A_53 iter_args(%while3A_247 = %while3A_52) -> (vector<16xf32>)  : i32 {
      %mul3A_248 = arith.constant 16 : i32
      %mul3A_249 = arith.muli %while3A_246, %mul3A_248 : i32
      %get3A = arith.index_cast %mul3A_249 : i32 to index
      %get3A_250 = tpu.vector_load %arg7[%get3A] {strides = array<i32>} : memref<31312xf32, #tpu.memory_space<vmem>>, vector<16xf32>,
      %get3A_251 = vector.shape_cast %get3A_250 : vector<16xf32> to vector<16xf32>
      %max3A_252 = arith.maximumf %while3A_247, %get3A_251 : vector<16xf32>
      scf.yield %max3A_252 : vector<16xf32>
    }
    %max3A = arith.maximumf %while3A_54, %parallel_loop3A_44#1 : vector<16xf32>
    %max3A_55 = arith.maximumf %parallel_loop3A_44#2, %parallel_loop3A_44#3 : vector<16xf32>
    %max3A_56 = arith.maximumf %max3A, %max3A_55 : vector<16xf32>
    %broadcast_in_dim3A_57 = arith.constant 0.000000e+00 : f32
    %broadcast_in_dim3A_58 = vector.broadcast %broadcast_in_dim3A_57 : f32 to vector<16xf32>
    %parallel_loop3A_59 = arith.constant 0 : i32
    %parallel_loop3A_60 = arith.constant 1952 : i32
    %parallel_loop3A_61 = arith.constant 8 : i32
    %parallel_loop3A_62:4 = scf.for %parallel_loop3A_246 = %parallel_loop3A_59 to %parallel_loop3A_60 step %parallel_loop3A_61 iter_args(%parallel_loop3A_247 = %broadcast_in_dim3A_58, %parallel_loop3A_248 = %broadcast_in_dim3A_58, %parallel_loop3A_249 = %broadcast_in_dim3A_58, %parallel_loop3A_250 = %broadcast_in_dim3A_58) -> (vector<16xf32>, vector<16xf32>, vector<16xf32>, vector<16xf32>)  : i32 {
      %parallel_loop3A_251 = arith.constant 16 : i32
      %parallel_loop3A_252 = arith.muli %parallel_loop3A_246, %parallel_loop3A_251 : i32
      %parallel_loop3A_253 = arith.index_cast %parallel_loop3A_252 : i32 to index
      %parallel_loop3A_254 = tpu.vector_load %arg7[%parallel_loop3A_253] {strides = array<i32>} : memref<31312xf32, #tpu.memory_space<vmem>>, vector<16xf32>,
      %parallel_loop3A_255 = vector.shape_cast %parallel_loop3A_254 : vector<16xf32> to vector<16xf32>
      %parallel_loop3A_256 = arith.subf %parallel_loop3A_255, %max3A_56 : vector<16xf32>
      %parallel_loop3A_257 = math.exp %parallel_loop3A_256 : vector<16xf32>
      %parallel_loop3A_258 = arith.addf %parallel_loop3A_247, %parallel_loop3A_257 : vector<16xf32>
      %parallel_loop3A_259 = arith.constant 64 : i32
      %parallel_loop3A_260 = arith.addi %parallel_loop3A_252, %parallel_loop3A_259 : i32
      %parallel_loop3A_261 = arith.index_cast %parallel_loop3A_260 : i32 to index
      %parallel_loop3A_262 = tpu.vector_load %arg7[%parallel_loop3A_261] {strides = array<i32>} : memref<31312xf32, #tpu.memory_space<vmem>>, vector<16xf32>,
      %parallel_loop3A_263 = vector.shape_cast %parallel_loop3A_262 : vector<16xf32> to vector<16xf32>
      %parallel_loop3A_264 = arith.subf %parallel_loop3A_263, %max3A_56 : vector<16xf32>
      %parallel_loop3A_265 = math.exp %parallel_loop3A_264 : vector<16xf32>
      %parallel_loop3A_266 = arith.addf %parallel_loop3A_258, %parallel_loop3A_265 : vector<16xf32>
      %parallel_loop3A_267 = arith.constant 16 : i32
      %parallel_loop3A_268 = arith.addi %parallel_loop3A_252, %parallel_loop3A_267 : i32
      %parallel_loop3A_269 = arith.index_cast %parallel_loop3A_268 : i32 to index
      %parallel_loop3A_270 = tpu.vector_load %arg7[%parallel_loop3A_269] {strides = array<i32>} : memref<31312xf32, #tpu.memory_space<vmem>>, vector<16xf32>,
      %parallel_loop3A_271 = vector.shape_cast %parallel_loop3A_270 : vector<16xf32> to vector<16xf32>
      %parallel_loop3A_272 = arith.subf %parallel_loop3A_271, %max3A_56 : vector<16xf32>
      %parallel_loop3A_273 = math.exp %parallel_loop3A_272 : vector<16xf32>
      %parallel_loop3A_274 = arith.addf %parallel_loop3A_248, %parallel_loop3A_273 : vector<16xf32>
      %parallel_loop3A_275 = arith.constant 80 : i32
      %parallel_loop3A_276 = arith.addi %parallel_loop3A_252, %parallel_loop3A_275 : i32
      %parallel_loop3A_277 = arith.index_cast %parallel_loop3A_276 : i32 to index
      %parallel_loop3A_278 = tpu.vector_load %arg7[%parallel_loop3A_277] {strides = array<i32>} : memref<31312xf32, #tpu.memory_space<vmem>>, vector<16xf32>,
      %parallel_loop3A_279 = vector.shape_cast %parallel_loop3A_278 : vector<16xf32> to vector<16xf32>
      %parallel_loop3A_280 = arith.subf %parallel_loop3A_279, %max3A_56 : vector<16xf32>
      %parallel_loop3A_281 = math.exp %parallel_loop3A_280 : vector<16xf32>
      %parallel_loop3A_282 = arith.addf %parallel_loop3A_274, %parallel_loop3A_281 : vector<16xf32>
      %parallel_loop3A_283 = arith.constant 32 : i32
      %parallel_loop3A_284 = arith.addi %parallel_loop3A_252, %parallel_loop3A_283 : i32
      %parallel_loop3A_285 = arith.index_cast %parallel_loop3A_284 : i32 to index
      %parallel_loop3A_286 = tpu.vector_load %arg7[%parallel_loop3A_285] {strides = array<i32>} : memref<31312xf32, #tpu.memory_space<vmem>>, vector<16xf32>,
      %parallel_loop3A_287 = vector.shape_cast %parallel_loop3A_286 : vector<16xf32> to vector<16xf32>
      %parallel_loop3A_288 = arith.subf %parallel_loop3A_287, %max3A_56 : vector<16xf32>
      %parallel_loop3A_289 = math.exp %parallel_loop3A_288 : vector<16xf32>
      %parallel_loop3A_290 = arith.addf %parallel_loop3A_249, %parallel_loop3A_289 : vector<16xf32>
      %parallel_loop3A_291 = arith.constant 96 : i32
      %parallel_loop3A_292 = arith.addi %parallel_loop3A_252, %parallel_loop3A_291 : i32
      %parallel_loop3A_293 = arith.index_cast %parallel_loop3A_292 : i32 to index
      %parallel_loop3A_294 = tpu.vector_load %arg7[%parallel_loop3A_293] {strides = array<i32>} : memref<31312xf32, #tpu.memory_space<vmem>>, vector<16xf32>,
      %parallel_loop3A_295 = vector.shape_cast %parallel_loop3A_294 : vector<16xf32> to vector<16xf32>
      %parallel_loop3A_296 = arith.subf %parallel_loop3A_295, %max3A_56 : vector<16xf32>
      %parallel_loop3A_297 = math.exp %parallel_loop3A_296 : vector<16xf32>
      %parallel_loop3A_298 = arith.addf %parallel_loop3A_290, %parallel_loop3A_297 : vector<16xf32>
      %parallel_loop3A_299 = arith.constant 48 : i32
      %parallel_loop3A_300 = arith.addi %parallel_loop3A_252, %parallel_loop3A_299 : i32
      %parallel_loop3A_301 = arith.index_cast %parallel_loop3A_300 : i32 to index
      %parallel_loop3A_302 = tpu.vector_load %arg7[%parallel_loop3A_301] {strides = array<i32>} : memref<31312xf32, #tpu.memory_space<vmem>>, vector<16xf32>,
      %parallel_loop3A_303 = vector.shape_cast %parallel_loop3A_302 : vector<16xf32> to vector<16xf32>
      %parallel_loop3A_304 = arith.subf %parallel_loop3A_303, %max3A_56 : vector<16xf32>
      %parallel_loop3A_305 = math.exp %parallel_loop3A_304 : vector<16xf32>
      %parallel_loop3A_306 = arith.addf %parallel_loop3A_250, %parallel_loop3A_305 : vector<16xf32>
      %parallel_loop3A_307 = arith.constant 112 : i32
      %parallel_loop3A_308 = arith.addi %parallel_loop3A_252, %parallel_loop3A_307 : i32
      %parallel_loop3A_309 = arith.index_cast %parallel_loop3A_308 : i32 to index
      %parallel_loop3A_310 = tpu.vector_load %arg7[%parallel_loop3A_309] {strides = array<i32>} : memref<31312xf32, #tpu.memory_space<vmem>>, vector<16xf32>,
      %parallel_loop3A_311 = vector.shape_cast %parallel_loop3A_310 : vector<16xf32> to vector<16xf32>
      %parallel_loop3A_312 = arith.subf %parallel_loop3A_311, %max3A_56 : vector<16xf32>
      %parallel_loop3A_313 = math.exp %parallel_loop3A_312 : vector<16xf32>
      %parallel_loop3A_314 = arith.addf %parallel_loop3A_306, %parallel_loop3A_313 : vector<16xf32>
      scf.yield %parallel_loop3A_266, %parallel_loop3A_282, %parallel_loop3A_298, %parallel_loop3A_314 : vector<16xf32>, vector<16xf32>, vector<16xf32>, vector<16xf32>
    } {sc.loop_unroll_factor = 1 : i64, sc.parallel_access}
    %while3A_63 = arith.constant 1952 : i32
    %while3A_64 = arith.subi %select_n3A, %while3A_63 : i32
    %while3A_65 = arith.addi %while3A_63, %while3A_64 : i32
    %while3A_66 = arith.constant 1 : i32
    %while3A_67 = arith.divsi %while3A_64, %while3A_66 : i32
    %while3A_68 = arith.muli %while3A_67, %while3A_66 : i32
    %while3A_69 = arith.addi %while3A_63, %while3A_68 : i32
    %while3A_70 = arith.constant 1 : i32
    %while3A_71 = scf.for %while3A_246 = %while3A_63 to %while3A_69 step %while3A_70 iter_args(%while3A_247 = %parallel_loop3A_62#0) -> (vector<16xf32>)  : i32 {
      %mul3A_248 = arith.constant 16 : i32
      %mul3A_249 = arith.muli %while3A_246, %mul3A_248 : i32
      %get3A = arith.index_cast %mul3A_249 : i32 to index
      %get3A_250 = tpu.vector_load %arg7[%get3A] {strides = array<i32>} : memref<31312xf32, #tpu.memory_space<vmem>>, vector<16xf32>,
      %get3A_251 = vector.shape_cast %get3A_250 : vector<16xf32> to vector<16xf32>
      %sub3A_252 = arith.subf %get3A_251, %max3A_56 : vector<16xf32>
      %exp3A = math.exp %sub3A_252 : vector<16xf32>
      %add3A_253 = arith.addf %while3A_247, %exp3A : vector<16xf32>
      scf.yield %add3A_253 : vector<16xf32>
    }
    %while3A_72 = arith.constant 1 : i32
    %while3A_73 = scf.for %while3A_246 = %while3A_69 to %while3A_65 step %while3A_72 iter_args(%while3A_247 = %while3A_71) -> (vector<16xf32>)  : i32 {
      %mul3A_248 = arith.constant 16 : i32
      %mul3A_249 = arith.muli %while3A_246, %mul3A_248 : i32
      %get3A = arith.index_cast %mul3A_249 : i32 to index
      %get3A_250 = tpu.vector_load %arg7[%get3A] {strides = array<i32>} : memref<31312xf32, #tpu.memory_space<vmem>>, vector<16xf32>,
      %get3A_251 = vector.shape_cast %get3A_250 : vector<16xf32> to vector<16xf32>
      %sub3A_252 = arith.subf %get3A_251, %max3A_56 : vector<16xf32>
      %exp3A = math.exp %sub3A_252 : vector<16xf32>
      %add3A_253 = arith.addf %while3A_247, %exp3A : vector<16xf32>
      scf.yield %add3A_253 : vector<16xf32>
    }
    %add3A_74 = arith.addf %while3A_73, %parallel_loop3A_62#1 : vector<16xf32>
    %add3A_75 = arith.addf %parallel_loop3A_62#2, %parallel_loop3A_62#3 : vector<16xf32>
    %add3A_76 = arith.addf %add3A_74, %add3A_75 : vector<16xf32>
    %swap3A_77 = arith.constant 0 : index
    %swap3A_78 = tpu.vector_load %arg8[%swap3A_77] {strides = array<i32>} : memref<16xf32, #tpu.memory_space<vmem>>, vector<16xf32>,
    %swap3A_79 = vector.shape_cast %swap3A_78 : vector<16xf32> to vector<16xf32>
    %swap3A_80 = vector.shape_cast %max3A_56 : vector<16xf32> to vector<16xf32>
    tpu.vector_store %arg8[%swap3A_77], %swap3A_80 {strides = array<i32>} : memref<16xf32, #tpu.memory_space<vmem>>, vector<16xf32>,
    %swap3A_81 = arith.constant 0 : index
    %swap3A_82 = tpu.vector_load %arg9[%swap3A_81] {strides = array<i32>} : memref<16xf32, #tpu.memory_space<vmem>>, vector<16xf32>,
    %swap3A_83 = vector.shape_cast %swap3A_82 : vector<16xf32> to vector<16xf32>
    %swap3A_84 = vector.shape_cast %add3A_76 : vector<16xf32> to vector<16xf32>
    tpu.vector_store %arg9[%swap3A_81], %swap3A_84 {strides = array<i32>} : memref<16xf32, #tpu.memory_space<vmem>>, vector<16xf32>,
    "tpu.region"() ({
      %run_scoped3A = tpu.sem_alloc : memref<!tpu.dma_semaphore, #tpu.memory_space<semaphore_mem>>
      %dma_start3A_246 = arith.constant 0 : i32
      %dma_start3A_247 = tpu.memref_slice %arg4[%add3A, %dma_start3A_246] : memref<32x16xf32, #tpu.memory_space<hbm>> -> memref<1x16xf32, #tpu.memory_space<hbm>>
      %dma_start3A_248 = tpu.memref_squeeze %dma_start3A_247 : memref<1x16xf32, #tpu.memory_space<hbm>> -> memref<16xf32, #tpu.memory_space<hbm>>
      %dma_start3A_249 = arith.constant 0 : i32
      %dma_start3A_250 = tpu.memref_slice %arg4[%add3A, %dma_start3A_249] : memref<32x16xf32, #tpu.memory_space<hbm>> -> memref<1x16xf32, #tpu.memory_space<hbm>>
      %dma_start3A_251 = tpu.memref_squeeze %dma_start3A_250 : memref<1x16xf32, #tpu.memory_space<hbm>> -> memref<16xf32, #tpu.memory_space<hbm>>
      tpu.enqueue_dma source(%arg8 : memref<16xf32, #tpu.memory_space<vmem>>) target(%dma_start3A_251 : memref<16xf32, #tpu.memory_space<hbm>>) target_semaphore(%run_scoped3A : memref<!tpu.dma_semaphore, #tpu.memory_space<semaphore_mem>>)
      %dma_wait3A_252 = arith.constant 0 : i32
      %dma_wait3A_253 = tpu.memref_slice %arg4[%add3A, %dma_wait3A_252] : memref<32x16xf32, #tpu.memory_space<hbm>> -> memref<1x16xf32, #tpu.memory_space<hbm>>
      %dma_wait3A_254 = tpu.memref_squeeze %dma_wait3A_253 : memref<1x16xf32, #tpu.memory_space<hbm>> -> memref<16xf32, #tpu.memory_space<hbm>>
      %dma_wait3A_255 = arith.constant 0 : i32
      %dma_wait3A_256 = tpu.memref_slice %arg4[%add3A, %dma_wait3A_255] : memref<32x16xf32, #tpu.memory_space<hbm>> -> memref<1x16xf32, #tpu.memory_space<hbm>>
      %dma_wait3A_257 = tpu.memref_squeeze %dma_wait3A_256 : memref<1x16xf32, #tpu.memory_space<hbm>> -> memref<16xf32, #tpu.memory_space<hbm>>
      tpu.wait_dma2 semaphore(%run_scoped3A : memref<!tpu.dma_semaphore, #tpu.memory_space<semaphore_mem>>) src(%arg8 : memref<16xf32, #tpu.memory_space<vmem>>) dst(%dma_wait3A_257 : memref<16xf32, #tpu.memory_space<hbm>>)
      tpu.yield
    }) : () -> ()
    "tpu.region"() ({
      %run_scoped3A = tpu.sem_alloc : memref<!tpu.dma_semaphore, #tpu.memory_space<semaphore_mem>>
      %dma_start3A_246 = arith.constant 0 : i32
      %dma_start3A_247 = tpu.memref_slice %arg5[%add3A, %dma_start3A_246] : memref<32x16xf32, #tpu.memory_space<hbm>> -> memref<1x16xf32, #tpu.memory_space<hbm>>
      %dma_start3A_248 = tpu.memref_squeeze %dma_start3A_247 : memref<1x16xf32, #tpu.memory_space<hbm>> -> memref<16xf32, #tpu.memory_space<hbm>>
      %dma_start3A_249 = arith.constant 0 : i32
      %dma_start3A_250 = tpu.memref_slice %arg5[%add3A, %dma_start3A_249] : memref<32x16xf32, #tpu.memory_space<hbm>> -> memref<1x16xf32, #tpu.memory_space<hbm>>
      %dma_start3A_251 = tpu.memref_squeeze %dma_start3A_250 : memref<1x16xf32, #tpu.memory_space<hbm>> -> memref<16xf32, #tpu.memory_space<hbm>>
      tpu.enqueue_dma source(%arg9 : memref<16xf32, #tpu.memory_space<vmem>>) target(%dma_start3A_251 : memref<16xf32, #tpu.memory_space<hbm>>) target_semaphore(%run_scoped3A : memref<!tpu.dma_semaphore, #tpu.memory_space<semaphore_mem>>)
      %dma_wait3A_252 = arith.constant 0 : i32
      %dma_wait3A_253 = tpu.memref_slice %arg5[%add3A, %dma_wait3A_252] : memref<32x16xf32, #tpu.memory_space<hbm>> -> memref<1x16xf32, #tpu.memory_space<hbm>>
      %dma_wait3A_254 = tpu.memref_squeeze %dma_wait3A_253 : memref<1x16xf32, #tpu.memory_space<hbm>> -> memref<16xf32, #tpu.memory_space<hbm>>
      %dma_wait3A_255 = arith.constant 0 : i32
      %dma_wait3A_256 = tpu.memref_slice %arg5[%add3A, %dma_wait3A_255] : memref<32x16xf32, #tpu.memory_space<hbm>> -> memref<1x16xf32, #tpu.memory_space<hbm>>
      %dma_wait3A_257 = tpu.memref_squeeze %dma_wait3A_256 : memref<1x16xf32, #tpu.memory_space<hbm>> -> memref<16xf32, #tpu.memory_space<hbm>>
      tpu.wait_dma2 semaphore(%run_scoped3A : memref<!tpu.dma_semaphore, #tpu.memory_space<semaphore_mem>>) src(%arg9 : memref<16xf32, #tpu.memory_space<vmem>>) dst(%dma_wait3A_257 : memref<16xf32, #tpu.memory_space<hbm>>)
      tpu.yield
    }) : () -> ()
    %barrier3A = arith.constant 0 : index
    tpu.barrier barrier_id(%barrier3A)
    %eq3A_85 = arith.constant 0 : i32
    %eq3A_86 = arith.cmpi eq, %arg1, %eq3A_85 : i32
    %convert_element_type3A_87 = arith.extui %eq3A_86 : i1 to i32
    %cond3A_88 = arith.constant 0 : i32
    %cond3A_89 = arith.cmpi ne, %convert_element_type3A_87, %cond3A_88 : i32
    scf.if %cond3A_89 {
      %broadcast_in_dim3A_246 = arith.constant 0x4996B438 : f32
      %broadcast_in_dim3A_247 = vector.broadcast %broadcast_in_dim3A_246 : f32 to vector<16xf32>
      %swap3A_248 = arith.constant 0 : index
      %swap3A_249 = tpu.vector_load %arg10[%swap3A_248] {strides = array<i32>} : memref<16xf32, #tpu.memory_space<vmem>>, vector<16xf32>,
      %swap3A_250 = vector.shape_cast %swap3A_249 : vector<16xf32> to vector<16xf32>
      %swap3A_251 = vector.shape_cast %broadcast_in_dim3A_247 : vector<16xf32> to vector<16xf32>
      tpu.vector_store %arg10[%swap3A_248], %swap3A_251 {strides = array<i32>} : memref<16xf32, #tpu.memory_space<vmem>>, vector<16xf32>,
      "tpu.region"() ({
        %run_scoped3A = tpu.sem_alloc : memref<!tpu.dma_semaphore, #tpu.memory_space<semaphore_mem>>
        %dma_start3A_252 = arith.constant 0 : i32
        %dma_start3A_253 = tpu.memref_slice %arg6[%arg0, %dma_start3A_252] : memref<2x16xf32, #tpu.memory_space<hbm>> -> memref<1x16xf32, #tpu.memory_space<hbm>>
        %dma_start3A_254 = tpu.memref_squeeze %dma_start3A_253 : memref<1x16xf32, #tpu.memory_space<hbm>> -> memref<16xf32, #tpu.memory_space<hbm>>
        %dma_start3A_255 = arith.constant 0 : i32
        %dma_start3A_256 = tpu.memref_slice %arg6[%arg0, %dma_start3A_255] : memref<2x16xf32, #tpu.memory_space<hbm>> -> memref<1x16xf32, #tpu.memory_space<hbm>>
        %dma_start3A_257 = tpu.memref_squeeze %dma_start3A_256 : memref<1x16xf32, #tpu.memory_space<hbm>> -> memref<16xf32, #tpu.memory_space<hbm>>
        tpu.enqueue_dma source(%arg10 : memref<16xf32, #tpu.memory_space<vmem>>) target(%dma_start3A_257 : memref<16xf32, #tpu.memory_space<hbm>>) target_semaphore(%run_scoped3A : memref<!tpu.dma_semaphore, #tpu.memory_space<semaphore_mem>>)
        %dma_wait3A_258 = arith.constant 0 : i32
        %dma_wait3A_259 = tpu.memref_slice %arg6[%arg0, %dma_wait3A_258] : memref<2x16xf32, #tpu.memory_space<hbm>> -> memref<1x16xf32, #tpu.memory_space<hbm>>
        %dma_wait3A_260 = tpu.memref_squeeze %dma_wait3A_259 : memref<1x16xf32, #tpu.memory_space<hbm>> -> memref<16xf32, #tpu.memory_space<hbm>>
        %dma_wait3A_261 = arith.constant 0 : i32
        %dma_wait3A_262 = tpu.memref_slice %arg6[%arg0, %dma_wait3A_261] : memref<2x16xf32, #tpu.memory_space<hbm>> -> memref<1x16xf32, #tpu.memory_space<hbm>>
        %dma_wait3A_263 = tpu.memref_squeeze %dma_wait3A_262 : memref<1x16xf32, #tpu.memory_space<hbm>> -> memref<16xf32, #tpu.memory_space<hbm>>
        tpu.wait_dma2 semaphore(%run_scoped3A : memref<!tpu.dma_semaphore, #tpu.memory_space<semaphore_mem>>) src(%arg10 : memref<16xf32, #tpu.memory_space<vmem>>) dst(%dma_wait3A_263 : memref<16xf32, #tpu.memory_space<hbm>>)
        tpu.yield
      }) : () -> ()
    } else {
    }
    %sub3A = arith.constant 1 : i32
    %sub3A_90 = arith.subi %sub3A, %arg0 : i32
    %scan3A = arith.constant false
    %scan3A_91 = arith.constant 0 : i32
    %scan3A_92 = arith.constant 32 : i32
    %scan3A_93 = arith.addi %scan3A_91, %scan3A_92 : i32
    %scan3A_94 = arith.constant 1 : i32
    %scan3A_95 = scf.for %scan3A_246 = %scan3A_91 to %scan3A_93 step %scan3A_94 iter_args(%scan3A_247 = %scan3A) -> (i1)  : i32 {
      %not3A = arith.constant true
      %not3A_248 = arith.xori %scan3A_247, %not3A : i1
      %convert_element_type3A_249 = arith.extui %not3A_248 : i1 to i32
      %cond3A_250 = arith.constant 0 : i32
      %cond3A_251 = arith.cmpi ne, %convert_element_type3A_249, %cond3A_250 : i32
      scf.if %cond3A_251 {
        "tpu.region"() ({
          %run_scoped3A = tpu.sem_alloc : memref<!tpu.dma_semaphore, #tpu.memory_space<semaphore_mem>>
          %dma_start3A_258 = arith.constant 0 : i32
          %dma_start3A_259 = tpu.memref_slice %arg6[%sub3A_90, %dma_start3A_258] : memref<2x16xf32, #tpu.memory_space<hbm>> -> memref<1x16xf32, #tpu.memory_space<hbm>>
          %dma_start3A_260 = tpu.memref_squeeze %dma_start3A_259 : memref<1x16xf32, #tpu.memory_space<hbm>> -> memref<16xf32, #tpu.memory_space<hbm>>
          %dma_start3A_261 = arith.constant 0 : i32
          %dma_start3A_262 = tpu.memref_slice %arg6[%sub3A_90, %dma_start3A_261] : memref<2x16xf32, #tpu.memory_space<hbm>> -> memref<1x16xf32, #tpu.memory_space<hbm>>
          %dma_start3A_263 = tpu.memref_squeeze %dma_start3A_262 : memref<1x16xf32, #tpu.memory_space<hbm>> -> memref<16xf32, #tpu.memory_space<hbm>>
          tpu.enqueue_dma source(%dma_start3A_263 : memref<16xf32, #tpu.memory_space<hbm>>) target(%arg11 : memref<16xf32, #tpu.memory_space<vmem>>) target_semaphore(%run_scoped3A : memref<!tpu.dma_semaphore, #tpu.memory_space<semaphore_mem>>)
          %dma_wait3A_264 = arith.constant 0 : i32
          %dma_wait3A_265 = tpu.memref_slice %arg6[%sub3A_90, %dma_wait3A_264] : memref<2x16xf32, #tpu.memory_space<hbm>> -> memref<1x16xf32, #tpu.memory_space<hbm>>
          %dma_wait3A_266 = tpu.memref_squeeze %dma_wait3A_265 : memref<1x16xf32, #tpu.memory_space<hbm>> -> memref<16xf32, #tpu.memory_space<hbm>>
          %dma_wait3A_267 = arith.constant 0 : i32
          %dma_wait3A_268 = tpu.memref_slice %arg6[%sub3A_90, %dma_wait3A_267] : memref<2x16xf32, #tpu.memory_space<hbm>> -> memref<1x16xf32, #tpu.memory_space<hbm>>
          %dma_wait3A_269 = tpu.memref_squeeze %dma_wait3A_268 : memref<1x16xf32, #tpu.memory_space<hbm>> -> memref<16xf32, #tpu.memory_space<hbm>>
          tpu.wait_dma2 semaphore(%run_scoped3A : memref<!tpu.dma_semaphore, #tpu.memory_space<semaphore_mem>>) src(%dma_wait3A_269 : memref<16xf32, #tpu.memory_space<hbm>>) dst(%arg11 : memref<16xf32, #tpu.memory_space<vmem>>)
          tpu.yield
        }) : () -> ()
      } else {
      }
      %get3A = arith.constant 0 : index
      %get3A_252 = tpu.vector_load %arg11[%get3A] {strides = array<i32>} : memref<16xf32, #tpu.memory_space<vmem>>, vector<16xf32>,
      %get3A_253 = vector.shape_cast %get3A_252 : vector<16xf32> to vector<16xf32>
      %slice3A_254 = vector.extract_strided_slice %get3A_253 {offsets = [0], sizes = [1], strides = [1]} : vector<16xf32> to vector<1xf32>
      %squeeze3A_255 = vector.extract %slice3A_254[0] : f32 from vector<1xf32>
      %eq3A_256 = arith.constant 0x4996B438 : f32
      %eq3A_257 = arith.cmpf oeq, %squeeze3A_255, %eq3A_256 : f32
      %or3A = arith.ori %scan3A_247, %eq3A_257 : i1
      scf.yield %or3A : i1
    }
    %scan3A_96 = arith.constant 32 : i32
    "tpu.region"() ({
      %run_scoped3A = tpu.sem_alloc : memref<!tpu.dma_semaphore, #tpu.memory_space<semaphore_mem>>
      tpu.enqueue_dma source(%arg4 : memref<32x16xf32, #tpu.memory_space<hbm>>) target(%arg12 : memref<32x16xf32, #tpu.memory_space<vmem>>) target_semaphore(%run_scoped3A : memref<!tpu.dma_semaphore, #tpu.memory_space<semaphore_mem>>)
      tpu.wait_dma2 semaphore(%run_scoped3A : memref<!tpu.dma_semaphore, #tpu.memory_space<semaphore_mem>>) src(%arg4 : memref<32x16xf32, #tpu.memory_space<hbm>>) dst(%arg12 : memref<32x16xf32, #tpu.memory_space<vmem>>)
      tpu.yield
    }) : () -> ()
    "tpu.region"() ({
      %run_scoped3A = tpu.sem_alloc : memref<!tpu.dma_semaphore, #tpu.memory_space<semaphore_mem>>
      tpu.enqueue_dma source(%arg5 : memref<32x16xf32, #tpu.memory_space<hbm>>) target(%arg13 : memref<32x16xf32, #tpu.memory_space<vmem>>) target_semaphore(%run_scoped3A : memref<!tpu.dma_semaphore, #tpu.memory_space<semaphore_mem>>)
      tpu.wait_dma2 semaphore(%run_scoped3A : memref<!tpu.dma_semaphore, #tpu.memory_space<semaphore_mem>>) src(%arg5 : memref<32x16xf32, #tpu.memory_space<hbm>>) dst(%arg13 : memref<32x16xf32, #tpu.memory_space<vmem>>)
      tpu.yield
    }) : () -> ()
    %broadcast_in_dim3A_97 = arith.constant 0xFF800000 : f32
    %broadcast_in_dim3A_98 = vector.broadcast %broadcast_in_dim3A_97 : f32 to vector<16xf32>
    %scan3A_99 = arith.constant 0 : i32
    %scan3A_100 = arith.constant 32 : i32
    %scan3A_101 = arith.addi %scan3A_99, %scan3A_100 : i32
    %scan3A_102 = arith.constant 1 : i32
    %scan3A_103 = scf.for %scan3A_246 = %scan3A_99 to %scan3A_101 step %scan3A_102 iter_args(%scan3A_247 = %broadcast_in_dim3A_98) -> (vector<16xf32>)  : i32 {
      %get3A = arith.index_cast %scan3A_246 : i32 to index
      %get3A_248 = arith.constant 0 : index
      %get3A_249 = tpu.vector_load %arg12[%get3A, %get3A_248] {strides = array<i32>} : memref<32x16xf32, #tpu.memory_space<vmem>>, vector<1x16xf32>,
      %get3A_250 = vector.shape_cast %get3A_249 : vector<1x16xf32> to vector<16xf32>
      %max3A_251 = arith.maximumf %scan3A_247, %get3A_250 : vector<16xf32>
      scf.yield %max3A_251 : vector<16xf32>
    }
    %scan3A_104 = arith.constant 32 : i32
    %slice3A = vector.extract_strided_slice %scan3A_103 {offsets = [0], sizes = [1], strides = [1]} : vector<16xf32> to vector<1xf32>
    %squeeze3A = vector.extract %slice3A[0] : f32 from vector<1xf32>
    %slice3A_105 = vector.extract_strided_slice %scan3A_103 {offsets = [1], sizes = [1], strides = [1]} : vector<16xf32> to vector<1xf32>
    %squeeze3A_106 = vector.extract %slice3A_105[0] : f32 from vector<1xf32>
    %max3A_107 = arith.maximumf %squeeze3A, %squeeze3A_106 : f32
    %slice3A_108 = vector.extract_strided_slice %scan3A_103 {offsets = [2], sizes = [1], strides = [1]} : vector<16xf32> to vector<1xf32>
    %squeeze3A_109 = vector.extract %slice3A_108[0] : f32 from vector<1xf32>
    %max3A_110 = arith.maximumf %max3A_107, %squeeze3A_109 : f32
    %slice3A_111 = vector.extract_strided_slice %scan3A_103 {offsets = [3], sizes = [1], strides = [1]} : vector<16xf32> to vector<1xf32>
    %squeeze3A_112 = vector.extract %slice3A_111[0] : f32 from vector<1xf32>
    %max3A_113 = arith.maximumf %max3A_110, %squeeze3A_112 : f32
    %slice3A_114 = vector.extract_strided_slice %scan3A_103 {offsets = [4], sizes = [1], strides = [1]} : vector<16xf32> to vector<1xf32>
    %squeeze3A_115 = vector.extract %slice3A_114[0] : f32 from vector<1xf32>
    %max3A_116 = arith.maximumf %max3A_113, %squeeze3A_115 : f32
    %slice3A_117 = vector.extract_strided_slice %scan3A_103 {offsets = [5], sizes = [1], strides = [1]} : vector<16xf32> to vector<1xf32>
    %squeeze3A_118 = vector.extract %slice3A_117[0] : f32 from vector<1xf32>
    %max3A_119 = arith.maximumf %max3A_116, %squeeze3A_118 : f32
    %slice3A_120 = vector.extract_strided_slice %scan3A_103 {offsets = [6], sizes = [1], strides = [1]} : vector<16xf32> to vector<1xf32>
    %squeeze3A_121 = vector.extract %slice3A_120[0] : f32 from vector<1xf32>
    %max3A_122 = arith.maximumf %max3A_119, %squeeze3A_121 : f32
    %slice3A_123 = vector.extract_strided_slice %scan3A_103 {offsets = [7], sizes = [1], strides = [1]} : vector<16xf32> to vector<1xf32>
    %squeeze3A_124 = vector.extract %slice3A_123[0] : f32 from vector<1xf32>
    %max3A_125 = arith.maximumf %max3A_122, %squeeze3A_124 : f32
    %slice3A_126 = vector.extract_strided_slice %scan3A_103 {offsets = [8], sizes = [1], strides = [1]} : vector<16xf32> to vector<1xf32>
    %squeeze3A_127 = vector.extract %slice3A_126[0] : f32 from vector<1xf32>
    %max3A_128 = arith.maximumf %max3A_125, %squeeze3A_127 : f32
    %slice3A_129 = vector.extract_strided_slice %scan3A_103 {offsets = [9], sizes = [1], strides = [1]} : vector<16xf32> to vector<1xf32>
    %squeeze3A_130 = vector.extract %slice3A_129[0] : f32 from vector<1xf32>
    %max3A_131 = arith.maximumf %max3A_128, %squeeze3A_130 : f32
    %slice3A_132 = vector.extract_strided_slice %scan3A_103 {offsets = [10], sizes = [1], strides = [1]} : vector<16xf32> to vector<1xf32>
    %squeeze3A_133 = vector.extract %slice3A_132[0] : f32 from vector<1xf32>
    %max3A_134 = arith.maximumf %max3A_131, %squeeze3A_133 : f32
    %slice3A_135 = vector.extract_strided_slice %scan3A_103 {offsets = [11], sizes = [1], strides = [1]} : vector<16xf32> to vector<1xf32>
    %squeeze3A_136 = vector.extract %slice3A_135[0] : f32 from vector<1xf32>
    %max3A_137 = arith.maximumf %max3A_134, %squeeze3A_136 : f32
    %slice3A_138 = vector.extract_strided_slice %scan3A_103 {offsets = [12], sizes = [1], strides = [1]} : vector<16xf32> to vector<1xf32>
    %squeeze3A_139 = vector.extract %slice3A_138[0] : f32 from vector<1xf32>
    %max3A_140 = arith.maximumf %max3A_137, %squeeze3A_139 : f32
    %slice3A_141 = vector.extract_strided_slice %scan3A_103 {offsets = [13], sizes = [1], strides = [1]} : vector<16xf32> to vector<1xf32>
    %squeeze3A_142 = vector.extract %slice3A_141[0] : f32 from vector<1xf32>
    %max3A_143 = arith.maximumf %max3A_140, %squeeze3A_142 : f32
    %slice3A_144 = vector.extract_strided_slice %scan3A_103 {offsets = [14], sizes = [1], strides = [1]} : vector<16xf32> to vector<1xf32>
    %squeeze3A_145 = vector.extract %slice3A_144[0] : f32 from vector<1xf32>
    %max3A_146 = arith.maximumf %max3A_143, %squeeze3A_145 : f32
    %slice3A_147 = vector.extract_strided_slice %scan3A_103 {offsets = [15], sizes = [1], strides = [1]} : vector<16xf32> to vector<1xf32>
    %squeeze3A_148 = vector.extract %slice3A_147[0] : f32 from vector<1xf32>
    %max3A_149 = arith.maximumf %max3A_146, %squeeze3A_148 : f32
    %broadcast_in_dim3A_150 = arith.constant 0.000000e+00 : f32
    %broadcast_in_dim3A_151 = vector.broadcast %broadcast_in_dim3A_150 : f32 to vector<16xf32>
    %scan3A_152 = arith.constant 0 : i32
    %scan3A_153 = arith.constant 32 : i32
    %scan3A_154 = arith.addi %scan3A_152, %scan3A_153 : i32
    %scan3A_155 = arith.constant 1 : i32
    %scan3A_156 = scf.for %scan3A_246 = %scan3A_152 to %scan3A_154 step %scan3A_155 iter_args(%scan3A_247 = %broadcast_in_dim3A_151) -> (vector<16xf32>)  : i32 {
      %get3A = arith.index_cast %scan3A_246 : i32 to index
      %get3A_248 = arith.constant 0 : index
      %get3A_249 = tpu.vector_load %arg13[%get3A, %get3A_248] {strides = array<i32>} : memref<32x16xf32, #tpu.memory_space<vmem>>, vector<1x16xf32>,
      %get3A_250 = vector.shape_cast %get3A_249 : vector<1x16xf32> to vector<16xf32>
      %get3A_251 = arith.index_cast %scan3A_246 : i32 to index
      %get3A_252 = arith.constant 0 : index
      %get3A_253 = tpu.vector_load %arg12[%get3A_251, %get3A_252] {strides = array<i32>} : memref<32x16xf32, #tpu.memory_space<vmem>>, vector<1x16xf32>,
      %get3A_254 = vector.shape_cast %get3A_253 : vector<1x16xf32> to vector<16xf32>
      %sub3A_255 = vector.broadcast %max3A_149 : f32 to vector<16xf32>
      %sub3A_256 = arith.subf %get3A_254, %sub3A_255 : vector<16xf32>
      %exp3A = math.exp %sub3A_256 : vector<16xf32>
      %mul3A_257 = arith.mulf %get3A_250, %exp3A : vector<16xf32>
      %add3A_258 = arith.addf %scan3A_247, %mul3A_257 : vector<16xf32>
      scf.yield %add3A_258 : vector<16xf32>
    }
    %scan3A_157 = arith.constant 32 : i32
    %slice3A_158 = vector.extract_strided_slice %scan3A_156 {offsets = [0], sizes = [1], strides = [1]} : vector<16xf32> to vector<1xf32>
    %squeeze3A_159 = vector.extract %slice3A_158[0] : f32 from vector<1xf32>
    %slice3A_160 = vector.extract_strided_slice %scan3A_156 {offsets = [1], sizes = [1], strides = [1]} : vector<16xf32> to vector<1xf32>
    %squeeze3A_161 = vector.extract %slice3A_160[0] : f32 from vector<1xf32>
    %add3A_162 = arith.addf %squeeze3A_159, %squeeze3A_161 : f32
    %slice3A_163 = vector.extract_strided_slice %scan3A_156 {offsets = [2], sizes = [1], strides = [1]} : vector<16xf32> to vector<1xf32>
    %squeeze3A_164 = vector.extract %slice3A_163[0] : f32 from vector<1xf32>
    %add3A_165 = arith.addf %add3A_162, %squeeze3A_164 : f32
    %slice3A_166 = vector.extract_strided_slice %scan3A_156 {offsets = [3], sizes = [1], strides = [1]} : vector<16xf32> to vector<1xf32>
    %squeeze3A_167 = vector.extract %slice3A_166[0] : f32 from vector<1xf32>
    %add3A_168 = arith.addf %add3A_165, %squeeze3A_167 : f32
    %slice3A_169 = vector.extract_strided_slice %scan3A_156 {offsets = [4], sizes = [1], strides = [1]} : vector<16xf32> to vector<1xf32>
    %squeeze3A_170 = vector.extract %slice3A_169[0] : f32 from vector<1xf32>
    %add3A_171 = arith.addf %add3A_168, %squeeze3A_170 : f32
    %slice3A_172 = vector.extract_strided_slice %scan3A_156 {offsets = [5], sizes = [1], strides = [1]} : vector<16xf32> to vector<1xf32>
    %squeeze3A_173 = vector.extract %slice3A_172[0] : f32 from vector<1xf32>
    %add3A_174 = arith.addf %add3A_171, %squeeze3A_173 : f32
    %slice3A_175 = vector.extract_strided_slice %scan3A_156 {offsets = [6], sizes = [1], strides = [1]} : vector<16xf32> to vector<1xf32>
    %squeeze3A_176 = vector.extract %slice3A_175[0] : f32 from vector<1xf32>
    %add3A_177 = arith.addf %add3A_174, %squeeze3A_176 : f32
    %slice3A_178 = vector.extract_strided_slice %scan3A_156 {offsets = [7], sizes = [1], strides = [1]} : vector<16xf32> to vector<1xf32>
    %squeeze3A_179 = vector.extract %slice3A_178[0] : f32 from vector<1xf32>
    %add3A_180 = arith.addf %add3A_177, %squeeze3A_179 : f32
    %slice3A_181 = vector.extract_strided_slice %scan3A_156 {offsets = [8], sizes = [1], strides = [1]} : vector<16xf32> to vector<1xf32>
    %squeeze3A_182 = vector.extract %slice3A_181[0] : f32 from vector<1xf32>
    %add3A_183 = arith.addf %add3A_180, %squeeze3A_182 : f32
    %slice3A_184 = vector.extract_strided_slice %scan3A_156 {offsets = [9], sizes = [1], strides = [1]} : vector<16xf32> to vector<1xf32>
    %squeeze3A_185 = vector.extract %slice3A_184[0] : f32 from vector<1xf32>
    %add3A_186 = arith.addf %add3A_183, %squeeze3A_185 : f32
    %slice3A_187 = vector.extract_strided_slice %scan3A_156 {offsets = [10], sizes = [1], strides = [1]} : vector<16xf32> to vector<1xf32>
    %squeeze3A_188 = vector.extract %slice3A_187[0] : f32 from vector<1xf32>
    %add3A_189 = arith.addf %add3A_186, %squeeze3A_188 : f32
    %slice3A_190 = vector.extract_strided_slice %scan3A_156 {offsets = [11], sizes = [1], strides = [1]} : vector<16xf32> to vector<1xf32>
    %squeeze3A_191 = vector.extract %slice3A_190[0] : f32 from vector<1xf32>
    %add3A_192 = arith.addf %add3A_189, %squeeze3A_191 : f32
    %slice3A_193 = vector.extract_strided_slice %scan3A_156 {offsets = [12], sizes = [1], strides = [1]} : vector<16xf32> to vector<1xf32>
    %squeeze3A_194 = vector.extract %slice3A_193[0] : f32 from vector<1xf32>
    %add3A_195 = arith.addf %add3A_192, %squeeze3A_194 : f32
    %slice3A_196 = vector.extract_strided_slice %scan3A_156 {offsets = [13], sizes = [1], strides = [1]} : vector<16xf32> to vector<1xf32>
    %squeeze3A_197 = vector.extract %slice3A_196[0] : f32 from vector<1xf32>
    %add3A_198 = arith.addf %add3A_195, %squeeze3A_197 : f32
    %slice3A_199 = vector.extract_strided_slice %scan3A_156 {offsets = [14], sizes = [1], strides = [1]} : vector<16xf32> to vector<1xf32>
    %squeeze3A_200 = vector.extract %slice3A_199[0] : f32 from vector<1xf32>
    %add3A_201 = arith.addf %add3A_198, %squeeze3A_200 : f32
    %slice3A_202 = vector.extract_strided_slice %scan3A_156 {offsets = [15], sizes = [1], strides = [1]} : vector<16xf32> to vector<1xf32>
    %squeeze3A_203 = vector.extract %slice3A_202[0] : f32 from vector<1xf32>
    %add3A_204 = arith.addf %add3A_201, %squeeze3A_203 : f32
    %broadcast_in_dim3A_205 = arith.constant 1.000000e+00 : f32
    %broadcast_in_dim3A_206 = vector.broadcast %broadcast_in_dim3A_205 : f32 to vector<16xf32>
    %broadcast_in_dim3A_207 = vector.broadcast %add3A_204 : f32 to vector<16xf32>
    %div3A = arith.divf %broadcast_in_dim3A_206, %broadcast_in_dim3A_207 : vector<16xf32>
    %broadcast_in_dim3A_208 = vector.broadcast %max3A_149 : f32 to vector<16xf32>
    %parallel_loop3A_209 = arith.constant 0 : i32
    %parallel_loop3A_210 = arith.constant 976 : i32
    %parallel_loop3A_211 = arith.constant 4 : i32
    scf.for %parallel_loop3A_246 = %parallel_loop3A_209 to %parallel_loop3A_210 step %parallel_loop3A_211  : i32 {
      %parallel_loop3A_247 = arith.constant 16 : i32
      %parallel_loop3A_248 = arith.muli %parallel_loop3A_246, %parallel_loop3A_247 : i32
      %parallel_loop3A_249 = arith.constant 0 : i32
      %parallel_loop3A_250 = arith.addi %parallel_loop3A_248, %parallel_loop3A_249 : i32
      %parallel_loop3A_251 = arith.index_cast %parallel_loop3A_250 : i32 to index
      %parallel_loop3A_252 = tpu.vector_load %arg7[%parallel_loop3A_251] {strides = array<i32>} : memref<31312xf32, #tpu.memory_space<vmem>>, vector<16xf32>,
      %parallel_loop3A_253 = vector.shape_cast %parallel_loop3A_252 : vector<16xf32> to vector<16xf32>
      %parallel_loop3A_254 = arith.subf %parallel_loop3A_253, %broadcast_in_dim3A_208 : vector<16xf32>
      %parallel_loop3A_255 = math.exp %parallel_loop3A_254 : vector<16xf32>
      %parallel_loop3A_256 = arith.mulf %parallel_loop3A_255, %div3A : vector<16xf32>
      %parallel_loop3A_257 = arith.index_cast %parallel_loop3A_250 : i32 to index
      %parallel_loop3A_258 = tpu.vector_load %arg7[%parallel_loop3A_257] {strides = array<i32>} : memref<31312xf32, #tpu.memory_space<vmem>>, vector<16xf32>,
      %parallel_loop3A_259 = vector.shape_cast %parallel_loop3A_258 : vector<16xf32> to vector<16xf32>
      %parallel_loop3A_260 = vector.shape_cast %parallel_loop3A_256 : vector<16xf32> to vector<16xf32>
      tpu.vector_store %arg7[%parallel_loop3A_257], %parallel_loop3A_260 {strides = array<i32>} : memref<31312xf32, #tpu.memory_space<vmem>>, vector<16xf32>,
      %parallel_loop3A_261 = arith.constant 16 : i32
      %parallel_loop3A_262 = arith.addi %parallel_loop3A_248, %parallel_loop3A_261 : i32
      %parallel_loop3A_263 = arith.index_cast %parallel_loop3A_262 : i32 to index
      %parallel_loop3A_264 = tpu.vector_load %arg7[%parallel_loop3A_263] {strides = array<i32>} : memref<31312xf32, #tpu.memory_space<vmem>>, vector<16xf32>,
      %parallel_loop3A_265 = vector.shape_cast %parallel_loop3A_264 : vector<16xf32> to vector<16xf32>
      %parallel_loop3A_266 = arith.subf %parallel_loop3A_265, %broadcast_in_dim3A_208 : vector<16xf32>
      %parallel_loop3A_267 = math.exp %parallel_loop3A_266 : vector<16xf32>
      %parallel_loop3A_268 = arith.mulf %parallel_loop3A_267, %div3A : vector<16xf32>
      %parallel_loop3A_269 = arith.index_cast %parallel_loop3A_262 : i32 to index
      %parallel_loop3A_270 = tpu.vector_load %arg7[%parallel_loop3A_269] {strides = array<i32>} : memref<31312xf32, #tpu.memory_space<vmem>>, vector<16xf32>,
      %parallel_loop3A_271 = vector.shape_cast %parallel_loop3A_270 : vector<16xf32> to vector<16xf32>
      %parallel_loop3A_272 = vector.shape_cast %parallel_loop3A_268 : vector<16xf32> to vector<16xf32>
      tpu.vector_store %arg7[%parallel_loop3A_269], %parallel_loop3A_272 {strides = array<i32>} : memref<31312xf32, #tpu.memory_space<vmem>>, vector<16xf32>,
      %parallel_loop3A_273 = arith.constant 32 : i32
      %parallel_loop3A_274 = arith.addi %parallel_loop3A_248, %parallel_loop3A_273 : i32
      %parallel_loop3A_275 = arith.index_cast %parallel_loop3A_274 : i32 to index
      %parallel_loop3A_276 = tpu.vector_load %arg7[%parallel_loop3A_275] {strides = array<i32>} : memref<31312xf32, #tpu.memory_space<vmem>>, vector<16xf32>,
      %parallel_loop3A_277 = vector.shape_cast %parallel_loop3A_276 : vector<16xf32> to vector<16xf32>
      %parallel_loop3A_278 = arith.subf %parallel_loop3A_277, %broadcast_in_dim3A_208 : vector<16xf32>
      %parallel_loop3A_279 = math.exp %parallel_loop3A_278 : vector<16xf32>
      %parallel_loop3A_280 = arith.mulf %parallel_loop3A_279, %div3A : vector<16xf32>
      %parallel_loop3A_281 = arith.index_cast %parallel_loop3A_274 : i32 to index
      %parallel_loop3A_282 = tpu.vector_load %arg7[%parallel_loop3A_281] {strides = array<i32>} : memref<31312xf32, #tpu.memory_space<vmem>>, vector<16xf32>,
      %parallel_loop3A_283 = vector.shape_cast %parallel_loop3A_282 : vector<16xf32> to vector<16xf32>
      %parallel_loop3A_284 = vector.shape_cast %parallel_loop3A_280 : vector<16xf32> to vector<16xf32>
      tpu.vector_store %arg7[%parallel_loop3A_281], %parallel_loop3A_284 {strides = array<i32>} : memref<31312xf32, #tpu.memory_space<vmem>>, vector<16xf32>,
      %parallel_loop3A_285 = arith.constant 48 : i32
      %parallel_loop3A_286 = arith.addi %parallel_loop3A_248, %parallel_loop3A_285 : i32
      %parallel_loop3A_287 = arith.index_cast %parallel_loop3A_286 : i32 to index
      %parallel_loop3A_288 = tpu.vector_load %arg7[%parallel_loop3A_287] {strides = array<i32>} : memref<31312xf32, #tpu.memory_space<vmem>>, vector<16xf32>,
      %parallel_loop3A_289 = vector.shape_cast %parallel_loop3A_288 : vector<16xf32> to vector<16xf32>
      %parallel_loop3A_290 = arith.subf %parallel_loop3A_289, %broadcast_in_dim3A_208 : vector<16xf32>
      %parallel_loop3A_291 = math.exp %parallel_loop3A_290 : vector<16xf32>
      %parallel_loop3A_292 = arith.mulf %parallel_loop3A_291, %div3A : vector<16xf32>
      %parallel_loop3A_293 = arith.index_cast %parallel_loop3A_286 : i32 to index
      %parallel_loop3A_294 = tpu.vector_load %arg7[%parallel_loop3A_293] {strides = array<i32>} : memref<31312xf32, #tpu.memory_space<vmem>>, vector<16xf32>,
      %parallel_loop3A_295 = vector.shape_cast %parallel_loop3A_294 : vector<16xf32> to vector<16xf32>
      %parallel_loop3A_296 = vector.shape_cast %parallel_loop3A_292 : vector<16xf32> to vector<16xf32>
      tpu.vector_store %arg7[%parallel_loop3A_293], %parallel_loop3A_296 {strides = array<i32>} : memref<31312xf32, #tpu.memory_space<vmem>>, vector<16xf32>,
    } {sc.loop_unroll_factor = 1 : i64, sc.parallel_access}
    %dma_start3A_212 = arith.constant 0 : i32
    %dma_start3A_213 = tpu.memref_slice %arg7[%dma_start3A_212] : memref<31312xf32, #tpu.memory_space<vmem>> -> memref<15616xf32, #tpu.memory_space<vmem>>
    %dma_start3A_214 = tpu.memref_slice %arg3[%mul3A_2] : memref<1000000xf32, #tpu.memory_space<hbm>> -> memref<15616xf32, #tpu.memory_space<hbm>>
    %dma_start3A_215 = tpu.memref_slice %arg3[%mul3A_2] : memref<1000000xf32, #tpu.memory_space<hbm>> -> memref<15616xf32, #tpu.memory_space<hbm>>
    %dma_start3A_216 = arith.constant 0 : i32
    %dma_start3A_217 = tpu.memref_slice %arg7[%dma_start3A_216] : memref<31312xf32, #tpu.memory_space<vmem>> -> memref<15616xf32, #tpu.memory_space<vmem>>
    tpu.enqueue_dma source(%dma_start3A_217 : memref<15616xf32, #tpu.memory_space<vmem>>) target(%dma_start3A_215 : memref<15616xf32, #tpu.memory_space<hbm>>) target_semaphore(%arg14 : memref<!tpu.dma_semaphore, #tpu.memory_space<semaphore_mem>>)
    %parallel_loop3A_218 = arith.constant 976 : i32
    %parallel_loop3A_219 = arith.constant 1952 : i32
    %parallel_loop3A_220 = arith.constant 4 : i32
    scf.for %parallel_loop3A_246 = %parallel_loop3A_218 to %parallel_loop3A_219 step %parallel_loop3A_220  : i32 {
      %parallel_loop3A_247 = arith.constant 16 : i32
      %parallel_loop3A_248 = arith.muli %parallel_loop3A_246, %parallel_loop3A_247 : i32
      %parallel_loop3A_249 = arith.constant 0 : i32
      %parallel_loop3A_250 = arith.addi %parallel_loop3A_248, %parallel_loop3A_249 : i32
      %parallel_loop3A_251 = arith.index_cast %parallel_loop3A_250 : i32 to index
      %parallel_loop3A_252 = tpu.vector_load %arg7[%parallel_loop3A_251] {strides = array<i32>} : memref<31312xf32, #tpu.memory_space<vmem>>, vector<16xf32>,
      %parallel_loop3A_253 = vector.shape_cast %parallel_loop3A_252 : vector<16xf32> to vector<16xf32>
      %parallel_loop3A_254 = arith.subf %parallel_loop3A_253, %broadcast_in_dim3A_208 : vector<16xf32>
      %parallel_loop3A_255 = math.exp %parallel_loop3A_254 : vector<16xf32>
      %parallel_loop3A_256 = arith.mulf %parallel_loop3A_255, %div3A : vector<16xf32>
      %parallel_loop3A_257 = arith.index_cast %parallel_loop3A_250 : i32 to index
      %parallel_loop3A_258 = tpu.vector_load %arg7[%parallel_loop3A_257] {strides = array<i32>} : memref<31312xf32, #tpu.memory_space<vmem>>, vector<16xf32>,
      %parallel_loop3A_259 = vector.shape_cast %parallel_loop3A_258 : vector<16xf32> to vector<16xf32>
      %parallel_loop3A_260 = vector.shape_cast %parallel_loop3A_256 : vector<16xf32> to vector<16xf32>
      tpu.vector_store %arg7[%parallel_loop3A_257], %parallel_loop3A_260 {strides = array<i32>} : memref<31312xf32, #tpu.memory_space<vmem>>, vector<16xf32>,
      %parallel_loop3A_261 = arith.constant 16 : i32
      %parallel_loop3A_262 = arith.addi %parallel_loop3A_248, %parallel_loop3A_261 : i32
      %parallel_loop3A_263 = arith.index_cast %parallel_loop3A_262 : i32 to index
      %parallel_loop3A_264 = tpu.vector_load %arg7[%parallel_loop3A_263] {strides = array<i32>} : memref<31312xf32, #tpu.memory_space<vmem>>, vector<16xf32>,
      %parallel_loop3A_265 = vector.shape_cast %parallel_loop3A_264 : vector<16xf32> to vector<16xf32>
      %parallel_loop3A_266 = arith.subf %parallel_loop3A_265, %broadcast_in_dim3A_208 : vector<16xf32>
      %parallel_loop3A_267 = math.exp %parallel_loop3A_266 : vector<16xf32>
      %parallel_loop3A_268 = arith.mulf %parallel_loop3A_267, %div3A : vector<16xf32>
      %parallel_loop3A_269 = arith.index_cast %parallel_loop3A_262 : i32 to index
      %parallel_loop3A_270 = tpu.vector_load %arg7[%parallel_loop3A_269] {strides = array<i32>} : memref<31312xf32, #tpu.memory_space<vmem>>, vector<16xf32>,
      %parallel_loop3A_271 = vector.shape_cast %parallel_loop3A_270 : vector<16xf32> to vector<16xf32>
      %parallel_loop3A_272 = vector.shape_cast %parallel_loop3A_268 : vector<16xf32> to vector<16xf32>
      tpu.vector_store %arg7[%parallel_loop3A_269], %parallel_loop3A_272 {strides = array<i32>} : memref<31312xf32, #tpu.memory_space<vmem>>, vector<16xf32>,
      %parallel_loop3A_273 = arith.constant 32 : i32
      %parallel_loop3A_274 = arith.addi %parallel_loop3A_248, %parallel_loop3A_273 : i32
      %parallel_loop3A_275 = arith.index_cast %parallel_loop3A_274 : i32 to index
      %parallel_loop3A_276 = tpu.vector_load %arg7[%parallel_loop3A_275] {strides = array<i32>} : memref<31312xf32, #tpu.memory_space<vmem>>, vector<16xf32>,
      %parallel_loop3A_277 = vector.shape_cast %parallel_loop3A_276 : vector<16xf32> to vector<16xf32>
      %parallel_loop3A_278 = arith.subf %parallel_loop3A_277, %broadcast_in_dim3A_208 : vector<16xf32>
      %parallel_loop3A_279 = math.exp %parallel_loop3A_278 : vector<16xf32>
      %parallel_loop3A_280 = arith.mulf %parallel_loop3A_279, %div3A : vector<16xf32>
      %parallel_loop3A_281 = arith.index_cast %parallel_loop3A_274 : i32 to index
      %parallel_loop3A_282 = tpu.vector_load %arg7[%parallel_loop3A_281] {strides = array<i32>} : memref<31312xf32, #tpu.memory_space<vmem>>, vector<16xf32>,
      %parallel_loop3A_283 = vector.shape_cast %parallel_loop3A_282 : vector<16xf32> to vector<16xf32>
      %parallel_loop3A_284 = vector.shape_cast %parallel_loop3A_280 : vector<16xf32> to vector<16xf32>
      tpu.vector_store %arg7[%parallel_loop3A_281], %parallel_loop3A_284 {strides = array<i32>} : memref<31312xf32, #tpu.memory_space<vmem>>, vector<16xf32>,
      %parallel_loop3A_285 = arith.constant 48 : i32
      %parallel_loop3A_286 = arith.addi %parallel_loop3A_248, %parallel_loop3A_285 : i32
      %parallel_loop3A_287 = arith.index_cast %parallel_loop3A_286 : i32 to index
      %parallel_loop3A_288 = tpu.vector_load %arg7[%parallel_loop3A_287] {strides = array<i32>} : memref<31312xf32, #tpu.memory_space<vmem>>, vector<16xf32>,
      %parallel_loop3A_289 = vector.shape_cast %parallel_loop3A_288 : vector<16xf32> to vector<16xf32>
      %parallel_loop3A_290 = arith.subf %parallel_loop3A_289, %broadcast_in_dim3A_208 : vector<16xf32>
      %parallel_loop3A_291 = math.exp %parallel_loop3A_290 : vector<16xf32>
      %parallel_loop3A_292 = arith.mulf %parallel_loop3A_291, %div3A : vector<16xf32>
      %parallel_loop3A_293 = arith.index_cast %parallel_loop3A_286 : i32 to index
      %parallel_loop3A_294 = tpu.vector_load %arg7[%parallel_loop3A_293] {strides = array<i32>} : memref<31312xf32, #tpu.memory_space<vmem>>, vector<16xf32>,
      %parallel_loop3A_295 = vector.shape_cast %parallel_loop3A_294 : vector<16xf32> to vector<16xf32>
      %parallel_loop3A_296 = vector.shape_cast %parallel_loop3A_292 : vector<16xf32> to vector<16xf32>
      tpu.vector_store %arg7[%parallel_loop3A_293], %parallel_loop3A_296 {strides = array<i32>} : memref<31312xf32, #tpu.memory_space<vmem>>, vector<16xf32>,
    } {sc.loop_unroll_factor = 1 : i64, sc.parallel_access}
    %while3A_221 = arith.constant 0 : i32
    %while3A_222 = arith.constant 1952 : i32
    %while3A_223 = arith.subi %select_n3A, %while3A_222 : i32
    %while3A_224 = arith.addi %while3A_222, %while3A_223 : i32
    %while3A_225 = arith.constant 1 : i32
    %while3A_226 = arith.divsi %while3A_223, %while3A_225 : i32
    %while3A_227 = arith.muli %while3A_226, %while3A_225 : i32
    %while3A_228 = arith.addi %while3A_222, %while3A_227 : i32
    %while3A_229 = arith.constant 1 : i32
    scf.for %while3A_246 = %while3A_222 to %while3A_228 step %while3A_229  : i32 {
      %mul3A_247 = arith.constant 16 : i32
      %mul3A_248 = arith.muli %while3A_246, %mul3A_247 : i32
      %get3A = arith.index_cast %mul3A_248 : i32 to index
      %get3A_249 = tpu.vector_load %arg7[%get3A] {strides = array<i32>} : memref<31312xf32, #tpu.memory_space<vmem>>, vector<16xf32>,
      %get3A_250 = vector.shape_cast %get3A_249 : vector<16xf32> to vector<16xf32>
      %sub3A_251 = arith.subf %get3A_250, %broadcast_in_dim3A_208 : vector<16xf32>
      %exp3A = math.exp %sub3A_251 : vector<16xf32>
      %mul3A_252 = arith.mulf %exp3A, %div3A : vector<16xf32>
      %swap3A_253 = arith.index_cast %mul3A_248 : i32 to index
      %swap3A_254 = tpu.vector_load %arg7[%swap3A_253] {strides = array<i32>} : memref<31312xf32, #tpu.memory_space<vmem>>, vector<16xf32>,
      %swap3A_255 = vector.shape_cast %swap3A_254 : vector<16xf32> to vector<16xf32>
      %swap3A_256 = vector.shape_cast %mul3A_252 : vector<16xf32> to vector<16xf32>
      tpu.vector_store %arg7[%swap3A_253], %swap3A_256 {strides = array<i32>} : memref<31312xf32, #tpu.memory_space<vmem>>, vector<16xf32>,
    }
    %while3A_230 = arith.constant 1 : i32
    scf.for %while3A_246 = %while3A_228 to %while3A_224 step %while3A_230  : i32 {
      %mul3A_247 = arith.constant 16 : i32
      %mul3A_248 = arith.muli %while3A_246, %mul3A_247 : i32
      %get3A = arith.index_cast %mul3A_248 : i32 to index
      %get3A_249 = tpu.vector_load %arg7[%get3A] {strides = array<i32>} : memref<31312xf32, #tpu.memory_space<vmem>>, vector<16xf32>,
      %get3A_250 = vector.shape_cast %get3A_249 : vector<16xf32> to vector<16xf32>
      %sub3A_251 = arith.subf %get3A_250, %broadcast_in_dim3A_208 : vector<16xf32>
      %exp3A = math.exp %sub3A_251 : vector<16xf32>
      %mul3A_252 = arith.mulf %exp3A, %div3A : vector<16xf32>
      %swap3A_253 = arith.index_cast %mul3A_248 : i32 to index
      %swap3A_254 = tpu.vector_load %arg7[%swap3A_253] {strides = array<i32>} : memref<31312xf32, #tpu.memory_space<vmem>>, vector<16xf32>,
      %swap3A_255 = vector.shape_cast %swap3A_254 : vector<16xf32> to vector<16xf32>
      %swap3A_256 = vector.shape_cast %mul3A_252 : vector<16xf32> to vector<16xf32>
      tpu.vector_store %arg7[%swap3A_253], %swap3A_256 {strides = array<i32>} : memref<31312xf32, #tpu.memory_space<vmem>>, vector<16xf32>,
    }
    %lt3A = arith.constant 31 : i32
    %lt3A_231 = arith.cmpi slt, %add3A, %lt3A : i32
    %convert_element_type3A_232 = arith.extui %lt3A_231 : i1 to i32
    %cond3A_233 = arith.constant 0 : i32
    %cond3A_234 = arith.cmpi ne, %convert_element_type3A_232, %cond3A_233 : i32
    scf.if %cond3A_234 {
      %add3A_246 = arith.constant 15616 : i32
      %add3A_247 = arith.addi %mul3A_2, %add3A_246 : i32
      "tpu.region"() ({
        %run_scoped3A = tpu.sem_alloc : memref<!tpu.dma_semaphore, #tpu.memory_space<semaphore_mem>>
        %dma_start3A_248 = arith.constant 15616 : i32
        %dma_start3A_249 = tpu.memref_slice %arg7[%dma_start3A_248] : memref<31312xf32, #tpu.memory_space<vmem>> -> memref<15632xf32, #tpu.memory_space<vmem>>
        %dma_start3A_250 = tpu.memref_slice %arg3[%add3A_247] : memref<1000000xf32, #tpu.memory_space<hbm>> -> memref<15632xf32, #tpu.memory_space<hbm>>
        %dma_start3A_251 = tpu.memref_slice %arg3[%add3A_247] : memref<1000000xf32, #tpu.memory_space<hbm>> -> memref<15632xf32, #tpu.memory_space<hbm>>
        %dma_start3A_252 = arith.constant 15616 : i32
        %dma_start3A_253 = tpu.memref_slice %arg7[%dma_start3A_252] : memref<31312xf32, #tpu.memory_space<vmem>> -> memref<15632xf32, #tpu.memory_space<vmem>>
        tpu.enqueue_dma source(%dma_start3A_253 : memref<15632xf32, #tpu.memory_space<vmem>>) target(%dma_start3A_251 : memref<15632xf32, #tpu.memory_space<hbm>>) target_semaphore(%run_scoped3A : memref<!tpu.dma_semaphore, #tpu.memory_space<semaphore_mem>>)
        %dma_wait3A_254 = arith.constant 15616 : i32
        %dma_wait3A_255 = tpu.memref_slice %arg7[%dma_wait3A_254] : memref<31312xf32, #tpu.memory_space<vmem>> -> memref<15632xf32, #tpu.memory_space<vmem>>
        %dma_wait3A_256 = tpu.memref_slice %arg3[%add3A_247] : memref<1000000xf32, #tpu.memory_space<hbm>> -> memref<15632xf32, #tpu.memory_space<hbm>>
        %dma_wait3A_257 = tpu.memref_slice %arg3[%add3A_247] : memref<1000000xf32, #tpu.memory_space<hbm>> -> memref<15632xf32, #tpu.memory_space<hbm>>
        %dma_wait3A_258 = arith.constant 15616 : i32
        %dma_wait3A_259 = tpu.memref_slice %arg7[%dma_wait3A_258] : memref<31312xf32, #tpu.memory_space<vmem>> -> memref<15632xf32, #tpu.memory_space<vmem>>
        tpu.wait_dma2 semaphore(%run_scoped3A : memref<!tpu.dma_semaphore, #tpu.memory_space<semaphore_mem>>) src(%dma_wait3A_259 : memref<15632xf32, #tpu.memory_space<vmem>>) dst(%dma_wait3A_257 : memref<15632xf32, #tpu.memory_space<hbm>>)
        tpu.yield
      }) : () -> ()
    } else {
    }
    %eq3A_235 = arith.constant 31 : i32
    %eq3A_236 = arith.cmpi eq, %add3A, %eq3A_235 : i32
    %convert_element_type3A_237 = arith.extui %eq3A_236 : i1 to i32
    %cond3A_238 = arith.constant 0 : i32
    %cond3A_239 = arith.cmpi ne, %convert_element_type3A_237, %cond3A_238 : i32
    scf.if %cond3A_239 {
      %add3A_246 = arith.constant 15616 : i32
      %add3A_247 = arith.addi %mul3A_2, %add3A_246 : i32
      "tpu.region"() ({
        %run_scoped3A = tpu.sem_alloc : memref<!tpu.dma_semaphore, #tpu.memory_space<semaphore_mem>>
        %dma_start3A_248 = arith.constant 15616 : i32
        %dma_start3A_249 = tpu.memref_slice %arg7[%dma_start3A_248] : memref<31312xf32, #tpu.memory_space<vmem>> -> memref<15696xf32, #tpu.memory_space<vmem>>
        %dma_start3A_250 = tpu.memref_slice %arg3[%add3A_247] : memref<1000000xf32, #tpu.memory_space<hbm>> -> memref<15696xf32, #tpu.memory_space<hbm>>
        %dma_start3A_251 = tpu.memref_slice %arg3[%add3A_247] : memref<1000000xf32, #tpu.memory_space<hbm>> -> memref<15696xf32, #tpu.memory_space<hbm>>
        %dma_start3A_252 = arith.constant 15616 : i32
        %dma_start3A_253 = tpu.memref_slice %arg7[%dma_start3A_252] : memref<31312xf32, #tpu.memory_space<vmem>> -> memref<15696xf32, #tpu.memory_space<vmem>>
        tpu.enqueue_dma source(%dma_start3A_253 : memref<15696xf32, #tpu.memory_space<vmem>>) target(%dma_start3A_251 : memref<15696xf32, #tpu.memory_space<hbm>>) target_semaphore(%run_scoped3A : memref<!tpu.dma_semaphore, #tpu.memory_space<semaphore_mem>>)
        %dma_wait3A_254 = arith.constant 15616 : i32
        %dma_wait3A_255 = tpu.memref_slice %arg7[%dma_wait3A_254] : memref<31312xf32, #tpu.memory_space<vmem>> -> memref<15696xf32, #tpu.memory_space<vmem>>
        %dma_wait3A_256 = tpu.memref_slice %arg3[%add3A_247] : memref<1000000xf32, #tpu.memory_space<hbm>> -> memref<15696xf32, #tpu.memory_space<hbm>>
        %dma_wait3A_257 = tpu.memref_slice %arg3[%add3A_247] : memref<1000000xf32, #tpu.memory_space<hbm>> -> memref<15696xf32, #tpu.memory_space<hbm>>
        %dma_wait3A_258 = arith.constant 15616 : i32
        %dma_wait3A_259 = tpu.memref_slice %arg7[%dma_wait3A_258] : memref<31312xf32, #tpu.memory_space<vmem>> -> memref<15696xf32, #tpu.memory_space<vmem>>
        tpu.wait_dma2 semaphore(%run_scoped3A : memref<!tpu.dma_semaphore, #tpu.memory_space<semaphore_mem>>) src(%dma_wait3A_259 : memref<15696xf32, #tpu.memory_space<vmem>>) dst(%dma_wait3A_257 : memref<15696xf32, #tpu.memory_space<hbm>>)
        tpu.yield
      }) : () -> ()
    } else {
    }
    %dma_wait3A_240 = arith.constant 0 : i32
    %dma_wait3A_241 = tpu.memref_slice %arg7[%dma_wait3A_240] : memref<31312xf32, #tpu.memory_space<vmem>> -> memref<15616xf32, #tpu.memory_space<vmem>>
    %dma_wait3A_242 = tpu.memref_slice %arg3[%mul3A_2] : memref<1000000xf32, #tpu.memory_space<hbm>> -> memref<15616xf32, #tpu.memory_space<hbm>>
    %dma_wait3A_243 = tpu.memref_slice %arg3[%mul3A_2] : memref<1000000xf32, #tpu.memory_space<hbm>> -> memref<15616xf32, #tpu.memory_space<hbm>>
    %dma_wait3A_244 = arith.constant 0 : i32
    %dma_wait3A_245 = tpu.memref_slice %arg7[%dma_wait3A_244] : memref<31312xf32, #tpu.memory_space<vmem>> -> memref<15616xf32, #tpu.memory_space<vmem>>
    tpu.wait_dma2 semaphore(%arg14 : memref<!tpu.dma_semaphore, #tpu.memory_space<semaphore_mem>>) src(%dma_wait3A_245 : memref<15616xf32, #tpu.memory_space<vmem>>) dst(%dma_wait3A_243 : memref<15616xf32, #tpu.memory_space<hbm>>)
    return
  }
}

</mosaic_0001>

<sc_bundles>
// kernel: kernel.3.cloned.1.call-start
scs
__scs_entry_jumppad:
0x0: {  	(pc) =	sbr.rel $0x88, $3  }
0x1: {  	(tag) =	ssettag $0x0;
	lr =	simm.s32 $0x1  }
0x2: {  	[smem:$0x3FA0] =	sst lr;
	_ =	strace $0xD0000000  }
0x3: {  	_ = 	snop  }
0x4: {  	_ = 	snop  }
0x5: {  	_ = 	snop  }
0x6: {  	_ = 	snop  }
0x7: {  	_ = 	snop  }
__scs_overlays_trampoline_lowered:
0x8: {  	[smem:$0x3FAF] =	sst s0  }
0x9: {  	[smem:$0x3FB0] =	sst s1  }
0xa: {  	[smem:$0x3FB1] =	sst s2  }
0xb: {  	[smem:$0x3FB2] =	sst s3  }
0xc: {  	[smem:$0x3FB3] =	sst s4  }
0xd: {  	[smem:$0x3FB4] =	sst s5  }
0xe: {  	[smem:$0x3FB5] =	sst s6  }
0xf: {  	[smem:$0x3FB6] =	sst s7  }
0x10: {  	[smem:$0x3FB7] =	sst s8  }
0x11: {  	[smem:$0x3FB8] =	sst s9;
	s0 =	simm.s32 @!p0 $0x0  }
0x12: {  	s1 =	sld [smem:$0x3F9E];
	s0 =	simm.s32 @p0 $0x1  }
0x13: {  	[smem:$0x3FB9] =	sst s0;
	s0 =	simm.s32 @!p1 $0x0  }
0x14: {  	s2 =	sld [smem:$0x3F9D];
	s0 =	simm.s32 @p1 $0x1  }
0x15: {  	[smem:$0x3FBA] =	sst s0;
	s0 =	simm.s32 @!p2 $0x0  }
0x16: {  	s3 =	sld [smem:$0x3FDB];
	s0 =	simm.s32 @p2 $0x1  }
0x17: {  	s4 =	simm.s32 $0x1BF5;
	[smem:$0x3FBC] =	sst s0  }
0x18: {  	s0 =	sld [smem:$0x3F9F];
	_ =	swait.ge [sflag:s4], $0x0  }
0x19: {  	s7 =	sld [smem:$0x3FA0]  }
0x1a: {  	s8 =	sadd.s32 $0xFFFFE003, lr  }
0x1b: {  	s9 =	sadd.s32 $0xFFFFFEF7, lr;
	s5 =	simm.s32 $0xFFFFFFFF;
	p2 =	slt.u32 s8, $0xFFFFF086  }
0x1c: {  	p1 =	slt.u32 s9, $0xF7A;
	s5 =	simm.s32 @!p2 $0x0  }
0x1d: {  	s5 =	simm.s32 @p1 $0x1;
	p0 =	seq.s32 s7, s2  }
0x1e: {  	s7 =	smul.u32 @!p0 $0xF7A, s2;
	p2 =	seq.s32 @!p0 s5, $0x0  }
0x1f: {  	s9 =	smul.u32 $0xF7A, s1;
	s8 =	simm.s32 @!p0 $0x1BF5;
	p2 =	por !p2, p0  }
0x20: {  	[sflag:s8] =	ssyncset.s32 @!p0 $0xFFFFF086;
	s6 =	sadd.s32 @!p0 s3, s7;
	s7 =	simm.s32 @!p0 $0x108  }
0x21: {  	s3 =	sadd.s32 s3, s9;
	s6 =	sadd.s32 @!p0 $0x88, s6;
	s7 =	simm.s32 @p2 $0x1082  }
0x22: {  	[simem:s7], [sflag:s8] =	dma.local @!p0 [hbm:s6], $0xF7A  }
0x23: {  	s9 =	sor.u32 $0xD0000000, s2;
	s6 =	simm.s32 $0x108;
	_ =	swait.ge @!p0 [sflag:s8], $0x0  }
0x24: {  	s3 =	sadd.s32 $0x88, s3;
	s6 =	simm.s32 @!p1 $0x1082;
	[sflag:s4] =	ssyncset.s32 $0xFFFFF086  }
0x25: {  	[simem:s6], [sflag:s4] =	dma.local [hbm:s3], $0xF7A  }
0x26: {  	[smem:$0x3FA0] =	sst s1;
	(tag) =	ssettag s2;
	_ =	strace s9  }
0x27: {  	s1 =	sld [smem:$0x3FB0]  }
0x28: {  	s2 =	sld [smem:$0x3FB1]  }
0x29: {  	s4 =	sld [smem:$0x3FB3]  }
0x2a: {  	p0 =	seq.s32 s5, $0x0;
	s5 =	sld [smem:$0x3FB4]  }
0x2b: {  	s6 =	sld [smem:$0x3FB5]  }
0x2c: {  	s7 =	sld [smem:$0x3FB6]  }
0x2d: {  	s3 =	simm.s32 $0x108;
	s8 =	sld [smem:$0x3FB7]  }
0x2e: {  	s3 =	simm.s32 @!p0 $0x1082;
	s9 =	sld [smem:$0x3FB8]  }
0x2f: {  	lr =	sadd.s32 s0, s3;
	s0 =	sld [smem:$0x3FAF]  }
0x30: {  	s3 =	sld [smem:$0x3FB2]  }
0x31: {  	[smem:$0x3FBB] =	sst s10  }
0x32: {  	s10 =	sld [smem:$0x3FB9];
	_ =	sdelay $0x3  }
0x33: {  	p0 =	seq.s32 s10, $0x1;
	s10 =	sld [smem:$0x3FBB];
	_ =	sdelay $0x3  }
0x34: {  	[smem:$0x3FBB] =	sst s10  }
0x35: {  	s10 =	sld [smem:$0x3FBA];
	_ =	sdelay $0x3  }
0x36: {  	p1 =	seq.s32 s10, $0x1;
	s10 =	sld [smem:$0x3FBB];
	_ =	sdelay $0x3  }
0x37: {  	[smem:$0x3FBB] =	sst s10  }
0x38: {  	s10 =	sld [smem:$0x3FBC]  }
0x39: {  	_ = 	snop;
	(pc) =	sbr.ind lr, $3  }
0x3a: {  	_ = 	snop  }
0x3b: {  	_ = 	snop  }
0x3c: {  	p2 =	seq.s32 s10, $0x1;
	s10 =	sld [smem:$0x3FBB]  }
0x3d: {  	_ =	shalt  }
0x3e: {  	_ =	shalt  }
0x3f: {  	_ =	shalt  }
0x40: {  	_ =	shalt  }
0x41: {  	_ =	shalt  }
0x42: {  	_ =	shalt  }
0x43: {  	_ =	shalt  }
0x44: {  	_ =	shalt  }
0x45: {  	_ =	shalt  }
0x46: {  	_ =	shalt  }
0x47: {  	_ =	shalt  }
0x48: {  	_ =	shalt  }
0x49: {  	_ =	shalt  }
0x4a: {  	_ =	shalt  }
0x4b: {  	_ =	shalt  }
0x4c: {  	_ =	shalt  }
0x4d: {  	_ =	shalt  }
0x4e: {  	_ =	shalt  }
0x4f: {  	_ =	shalt  }
0x50: {  	_ =	shalt  }
0x51: {  	_ =	shalt  }
0x52: {  	_ =	shalt  }
0x53: {  	_ =	shalt  }
0x54: {  	_ =	shalt  }
0x55: {  	_ =	shalt  }
0x56: {  	_ =	shalt  }
0x57: {  	_ =	shalt  }
0x58: {  	_ =	shalt  }
0x59: {  	_ =	shalt  }
0x5a: {  	_ =	shalt  }
0x5b: {  	_ =	shalt  }
0x5c: {  	_ =	shalt  }
0x5d: {  	_ =	shalt  }
0x5e: {  	_ =	shalt  }
0x5f: {  	_ =	shalt  }
0x60: {  	_ =	shalt  }
0x61: {  	_ =	shalt  }
0x62: {  	_ =	shalt  }
0x63: {  	_ =	shalt  }
0x64: {  	_ =	shalt  }
0x65: {  	_ =	shalt  }
0x66: {  	_ =	shalt  }
0x67: {  	_ =	shalt  }
0x68: {  	_ =	shalt  }
0x69: {  	_ =	shalt  }
0x6a: {  	_ =	shalt  }
0x6b: {  	_ =	shalt  }
0x6c: {  	_ =	shalt  }
0x6d: {  	_ =	shalt  }
0x6e: {  	_ =	shalt  }
0x6f: {  	_ =	shalt  }
0x70: {  	_ =	shalt  }
0x71: {  	_ =	shalt  }
0x72: {  	_ =	shalt  }
0x73: {  	_ =	shalt  }
0x74: {  	_ =	shalt  }
0x75: {  	_ =	shalt  }
0x76: {  	_ =	shalt  }
0x77: {  	_ =	shalt  }
0x78: {  	_ =	shalt  }
0x79: {  	_ =	shalt  }
0x7a: {  	_ =	shalt  }
0x7b: {  	_ =	shalt  }
0x7c: {  	_ =	shalt  }
0x7d: {  	_ =	shalt  }
0x7e: {  	_ =	shalt  }
0x7f: {  	_ =	shalt  }
0x80: {  	_ =	shalt  }
0x81: {  	_ =	shalt  }
0x82: {  	_ =	shalt  }
0x83: {  	_ =	shalt  }
0x84: {  	_ =	shalt  }
0x85: {  	_ =	shalt  }
0x86: {  	_ =	shalt  }
0x87: {  	_ =	shalt  }
.Lfunc_end0:
.L_simem_size_0:
called_computation_lowered:
.L_overlay_start_0:
0x88: {  	s2 =	sld [smem:$0x3FD9]  }
0x89: {  	s3 =	sld [smem:$0x3FFE];
	_ =	sdelay $0x1  }
0x8a: {  	s1 =	srdreg.scid  }
0x8b: {  	s0 =	sand.u32 $0x1, s1  }
0x8c: {  	s17 =	sshll.u32 s0, $0xA;
	s2 =	sadd.s32 s3, s2  }
0x8d: {  	s2 =	sadd.s32 s2, s17  }
0x8e: {  	[smem:$0x3FC7] =	sst s2  }
0x8f: {  	_ = 	snop  }
0x90: {  	s2 =	sld [smem:$0x3FC9]  }
0x91: {  	s18 =	sld [smem:$0x3FD0];
	(tm) =	ssettm $0x1  }
0x92: {  	s4 =	sld [smem:$0x3FFB];
	_ =	sdelay $0x3  }
0x93: {  	_ =	strace s4  }
0x94: {  	s4 =	sld [smem:$0x3FFC];
	_ =	sdelay $0x3  }
0x95: {  	_ =	strace s4  }
0x96: {  	s4 =	sld [smem:$0x3FFD];
	_ =	sdelay $0x3  }
0x97: {  	_ =	strace s4  }
0x98: {  	_ =	strace $0x8FFFFFFF  }
0x99: {  	s19 =	sld [smem:$0x3FDB];
	_ =	sdelay $0x1  }
0x9a: {  	s5 =	simm.s32 $_scs_section_size  }
0x9b: {  	s6 =	simm.s32 $_size__tile_overlayer_lowered;
	s7 =	simm.s32 $_tile_overlayer_lowered  }
0x9c: {  	s22 =	simm.s32 $0x1BFF;
	s21 =	sshll.u32 s7, $0x1;
	s4 =	sadd.s32 s5, s19  }
0x9d: {  	s8 =	simm.s32 $0x0;
	s20 =	sshll.u32 s6, $0x1;
	s6 =	sadd.s32 s21, s4  }
0x9e: {  	[timem:s8], [sflag:s22] =	dma.local [hbm:s6], s20  }
0x9f: {  	_ =	swait.ge [sflag:s22], s20  }
0xa0: {  	s5 =	ssub.s32 $0x0, s20;
	[sflag:s22] =	ssyncset.done $0x0  }
0xa1: {  	[sflag:s22] =	ssyncadd.s32 s5;
	_ =	sdelay $0x1  }
0xa2: {  	s23 =	simm.s32 $0x1B8B  }
0xa3: {  	_ =	swait.ge [sflag:s23], $0x1  }
0xa4: {  	[sflag:s23] =	ssyncset.done $0x0  }
0xa5: {  	s25 =	simm.s32 $0x1B8E;
	s24 =	sld [smem:$0x3FFE];
	[sflag:s23] =	ssyncadd.s32 $0xFFFFFFFF  }
0xa6: {  	s26 =	simm.s32 $execute0_lowered;
	[smem:$0x3FD2] =	sst s25  }
0xa7: {  	s6 =	sshll.u32 s26, $0x1;
	_ =	strace $0x80000046;
	[dreg:$0x1] =	wrdreg $0xFFFFFFFF  }
0xa8: {  	s28 =	simm.s32 $_size_execute0_lowered;
	s4 =	sadd.s32 s4, s6;
	[dreg:$0x0] =	wrdreg $0x0  }
0xa9: {  	s6 =	sshll.u32 s28, $0x1;
	[dreg:$0x2] =	wrdreg s4  }
0xaa: {  	[dreg:$0x3] =	wrdreg s6  }
0xab: {  	[dreg:$0x4] =	wrdreg $0xC0  }
0xac: {  	_ =	task [dreg:s8], $0x5FFFF  }
0xad: {  	[dreg:$0x1] =	wrdreg $0xFFFFFFFF  }
0xae: {  	[dreg:$0x0] =	wrdreg $0x60  }
0xaf: {  	[dreg:$0x2] =	wrdreg s2  }
0xb0: {  	[dreg:$0x3] =	wrdreg s18  }
0xb1: {  	[dreg:$0x4] =	wrdreg s24  }
0xb2: {  	[dreg:$0x5] =	wrdreg $0x9  }
0xb3: {  	_ =	task.clear_ibuf [dreg:s8], $0x6FFFF;
	_ =	strace $0x90000046  }
0xb4: {  	s29 =	simm.s32 $0x9;
	_ =	strace $0x80000048  }
0xb5: {  	_ =	swait.ge [sflag:s29], $0x1  }
0xb6: {  	[sflag:s29] =	ssyncadd.s32 $0xFFFFFFFF  }
0xb7: {  	_ =	strace $0x90000048  }
0xb8: {  	_ =	sfence  }
0xb9: {  	s30 =	sld [smem:$0x0];
	_ =	sdelay $0x2  }
0xba: {  	s31 =	sshll.u32 s1, $0xD;
	s1 =	sshrl.u32 s1, $0x2  }
0xbb: {  	s3 =	sand.u32 $0x4000, s31;
	s1 =	sadd.s32 s1, s30  }
0xbc: {  	s0 =	sor.u32 s3, s0;
	s1 =	sshll.u32 s1, $0x11  }
0xbd: {  	s0 =	sor.u32 s1, s0  }
0xbe: {  	s0 =	sadd.s32 $0x8F2B, s0  }
0xbf: {  	[sflag:s0] =	ssyncadd.remote.s32 $0x1  }
0xc0: {  	_ =	sfence.sel $0xFFFF  }
0xc1: {  	[dreg:$0x0] =	wrdreg $0xFFFFFFFF;
	(pc) =	sbr.abs _section_cstart, $3  }
0xc2: {  	[dreg:$0x1] =	wrdreg $0xFFFFFFFF  }
0xc3: {  	_ =	task.clear_ibuf [dreg:s8], $0x2FFFF;
	_ =	strace $0x9FFFFFFF  }
0xc4: {  	(tm) =	ssettm $0x7FFFFFFF  }
0xc5: {  	_ =	shalt  }
tec
execute0_lowered:
.L_overlay_start_1:
0x0: {  	(tag) =	ssettag $0x1  }
0x1: {  	s7 =	rddreg [dreg:$0x0]  }
0x2: {  	s12 =	rddreg [dreg:$0x1]  }
0x3: {  	s4 =	rddreg [dreg:$0x2]  }
0x4: {  	s0 =	rddreg [dreg:$0x3]  }
0x5: {  	s1 =	simm.s32 $0x0;
	s2 =	srdreg.scid;
	s14 =	stileid.u32  }
0x6: {  	s18 =	simm.s32 $0x3;
	s19 =	simm.s32 $0x7B00;
	s20 =	simm.s32 $0x7C80  }
0x7: {  	s21 =	simm.s32 $0x8C80;
	s22 =	simm.s32 $0x0;
	[smem:$0x7FF] =	sst s1  }
0x8: {  	s5 =	sand.u32 $0x1, s2;
	s2 =	sadd.s32 $0x800, s4;
	s8 =	sshll.u32 s14, $0x1  }
0x9: {  	s3 =	sadd.s32 $0xA00, s4;
	s10 =	sadd.s32 $0xC00, s4;
	s4 =	simm.s32 $0x5  }
0xa: {  	p1 =	sne.s32 s14, $0x0;
	s14 =	simm.s32 $0x3D00;
	_ =	strace $0x80000047  }
0xb: {  	s6 =	ssub.s32 $0x2, s5;
	s8 =	sor.u32 s5, s8;
	s31 =	sshll.u32 s5, $0x4  }
0xc: {  	s9 =	sshrl.u32 s6, $0x1;
	s30 =	smul.u32 $0x7A10, s8;
	p0 =	seq.s32 s8, $0x1F  }
0xd: {  	s5 =	sadd.s32 s10, s31;
	s16 =	sshll.u32 s8, $0x4;
	s17 =	sxor.u32 $0x10, s31  }
0xe: {  	s13 =	ssub.s32 s6, s9;
	s4 =	simm.s32 @!p0 $0x1;
	s8 =	sadd.s32 s2, s16  }
0xf: {  	s9 =	sadd.s32 s3, s16;
	s10 =	sadd.s32 s10, s17;
	s16 =	simm.s32 $0x2  }
0x10: {  	s17 =	simm.s32 $0x7A80;
	s11 =	sshrl.u32 s30, $0x3;
	s13 =	smax.u32 s13, $0x1  }
0x11: {  	s6 =	sadd.s32 s7, s11;
	s15 =	sadd.s32 $0x7A0, s11;
	s11 =	sadd.s32 s12, s11  }
0x12: {  	v0 =	vimm.f32 $0.0e+00;
	s7 =	sadd.s32 s7, s15;
	s12 =	sadd.s32 s12, s15;
	s15 =	simm.s32 $0x1  }
.LBB2_1:
0x13: {  	[tilespmem:$0x7C00] =	vst v0;
	v1 =	vimm.f32 @!p1 $0.0e+00  }
0x14: {  	s23 =	simm.s32 @!p1 $0x0;
	s24 =	simm.s32 @!p1 $0x7B80;
	[tilespmem:$0x7B80] =	vst @!p1 v1  }
0x15: {  	[hbm4b:s5+s23] =	stream.linear.scatter @!p1 [tilespmem:s24], [sflag:$0x3], $0x80, $0x38;
	[tilespmem:$0x9C80] =	vst v63  }
0x16: {  	s23 =	simm.s32 @!p1 $0x3  }
0x17: {  	_ =	swait.ge @!p1 [sflag:s23], $0x80  }
0x18: {  	[sflag:s23] =	ssyncset.done @!p1 $0x0  }
0x19: {  	[sflag:s23] =	ssyncadd.s32 @!p1 $0xFFFFFF80  }
0x1a: {  	[tilespmem:s1], [sflag:$0x1] =	stream.linear.gather [hbm4b:s6+s1], $0x3D00, $0x38;
	[tilespmem:$0x9C80] =	vst v63  }
0x1b: {  	_ = 	snop  }
0x1c: {  	[tilespmem:s14], [sflag:$0x2] =	stream.linear.gather [hbm4b:s7+s1], $0x3D50, $0x38;
	[tilespmem:$0x9C80] =	vst v63  }
0x1d: {  	_ =	swait.ge [sflag:s15], $0x3D00  }
0x1e: {  	[sflag:s15] =	ssyncset.done $0x0  }
0x1f: {  	s31 =	simm.s32 $0x40;
	[sflag:s15] =	ssyncadd.s32 $0xFFFFC300  }
0x20: {  	v9 =	vld [tilespmem:s31+$0x0]  }
0x21: {  	v1 =	vld [tilespmem:s31+$0x10]  }
0x22: {  	v3 =	vld [tilespmem:s31+$0x20]  }
0x23: {  	v5 =	vld [tilespmem:s31+$0xFFFFFFC0]  }
0x24: {  	v2 =	vld [tilespmem:s31+$0xFFFFFFD0]  }
0x25: {  	v6 =	vld [tilespmem:s31+$0xFFFFFFE0]  }
0x26: {  	v8 =	vimm.f32 $-Inf;
	v10 =	vld [tilespmem:s31+$0xFFFFFFF0]  }
0x27: {  	v13 =	vimm.f32 $-Inf;
	v14 =	vimm.f32 $-Inf;
	v15 =	vimm.f32 $-Inf;
	s24 =	simm.s32 $0xC0;
	s23 =	simm.s32 $0x0;
	v7 =	vld [tilespmem:s31+$0x30]  }
.LBB2_2:
0x28: {  	v4 =	vld [tilespmem:s24+$0x0]  }
0x29: {  	v5 =	vmax.f32 v8, v5;
	s23 =	sadd.s32 $0x8, s23;
	v11 =	vld [tilespmem:s24+$0x10]  }
0x2a: {  	v8 =	vmax.f32 v5, v9;
	p2 =	slt.u32 s23, $0x3C8;
	v12 =	vld [tilespmem:s24+$0x20]  }
.Ltmp0:
0x2b: {  	v16 =	vmax.f32 v13, v2;
	v6 =	vmax.f32 v14, v6;
	v5 =	vld [tilespmem:s24+$0xFFFFFFC0];
	v10 =	vmax.f32 v15, v10;
	(pc) =	sbr.rel @p2 .LBB2_2-.Ltmp0, $4  }
0x2c: {  	v13 =	vmax.f32 v16, v1;
	v14 =	vmax.f32 v6, v3;
	v2 =	vld [tilespmem:s24+$0xFFFFFFD0];
	v15 =	vmax.f32 v10, v7  }
0x2d: {  	v6 =	vld [tilespmem:s24+$0xFFFFFFE0];
	v9 =	vmov v4  }
0x2e: {  	v10 =	vld [tilespmem:s24+$0xFFFFFFF0];
	v1 =	vmov v11  }
0x2f: {  	v7 =	vld [tilespmem:s24+$0x30];
	s24 =	sadd.s32 $0x80, s24;
	v3 =	vmov v12  }
0x30: {  	_ =	swait.ge [sflag:s16], $0x3D50  }
0x31: {  	[sflag:s16] =	ssyncset.done $0x0  }
0x32: {  	s23 =	simm.s32 $0x3D70;
	[sflag:s16] =	ssyncadd.s32 $0xFFFFC2B0  }
0x33: {  	v16 =	vld [tilespmem:s23+$0xFFFFFFD0]  }
0x34: {  	v4 =	vld [tilespmem:s23+$0xFFFFFFE0]  }
0x35: {  	v12 =	vld [tilespmem:s23+$0xFFFFFFF0]  }
0x36: {  	v11 =	vld [tilespmem:s23+$0xFFFFFF90]  }
0x37: {  	v8 =	vmax.f32 v8, v5;
	v5 =	vld [tilespmem:s23+$0xFFFFFFA0]  }
0x38: {  	v8 =	vmax.f32 v8, v9;
	v9 =	vld [tilespmem:s23+$0xFFFFFFB0]  }
0x39: {  	v2 =	vmax.f32 v13, v2;
	v13 =	vmax.f32 v14, v6;
	v10 =	vmax.f32 v15, v10;
	v6 =	vld [tilespmem:s23+$0xFFFFFFC0]  }
0x3a: {  	s24 =	simm.s32 $0x3D0;
	s25 =	simm.s32 $0x3DF0;
	v1 =	vmax.f32 v2, v1;
	v2 =	vmax.f32 v13, v3;
	v3 =	vmax.f32 v10, v7;
	v7 =	vld [tilespmem:s23+$0x0]  }
.LBB2_4:
0x3b: {  	v10 =	vld [tilespmem:s25+$0xFFFFFFD0]  }
0x3c: {  	v8 =	vmax.f32 v8, v11;
	s24 =	sadd.s32 $0x8, s24;
	v13 =	vld [tilespmem:s25+$0xFFFFFFE0]  }
0x3d: {  	v8 =	vmax.f32 v8, v16;
	p2 =	slt.u32 s24, $0x798;
	v14 =	vld [tilespmem:s25+$0xFFFFFFF0]  }
.Ltmp1:
0x3e: {  	v1 =	vmax.f32 v1, v5;
	v2 =	vmax.f32 v2, v9;
	v11 =	vld [tilespmem:s25+$0xFFFFFF90];
	v3 =	vmax.f32 v3, v6;
	(pc) =	sbr.rel @p2 .LBB2_4-.Ltmp1, $4  }
0x3f: {  	s23 =	simm.s32 $0x7A00;
	v1 =	vmax.f32 v1, v4;
	v2 =	vmax.f32 v2, v12;
	v5 =	vld [tilespmem:s25+$0xFFFFFFA0];
	v3 =	vmax.f32 v3, v7  }
0x40: {  	v9 =	vld [tilespmem:s25+$0xFFFFFFB0];
	v16 =	vmov v10  }
0x41: {  	v6 =	vld [tilespmem:s25+$0xFFFFFFC0];
	v4 =	vmov v13  }
0x42: {  	v7 =	vld [tilespmem:s25+$0x0];
	s25 =	sadd.s32 $0x80, s25;
	v12 =	vmov v14  }
0x43: {  	p2 =	sne.s32 s4, $0x1  }
.Ltmp2:
0x44: {  	_ = 	snop;
	(pc) =	sbr.rel @!p2 .LBB2_7-.Ltmp2, $4  }
0x45: {  	v8 =	vmax.f32 v8, v11  }
0x46: {  	v8 =	vmax.f32 v8, v16  }
0x47: {  	v1 =	vmax.f32 v1, v5;
	v2 =	vmax.f32 v2, v9;
	v3 =	vmax.f32 v3, v6  }
0x48: {  	s24 =	sadd.s32 $0xFFFFFFFF, s4;
	v1 =	vmax.f32 v1, v4;
	v4 =	vld [tilespmem:s23+$0x0];
	v2 =	vmax.f32 v2, v12;
	v3 =	vmax.f32 v3, v7  }
.LBB2_6:
0x49: {  	p3 =	sne.s32 s24, $0x1  }
.Ltmp3:
0x4a: {  	_ = 	snop;
	(pc) =	sbr.rel @p3 .LBB2_6-.Ltmp3, $3  }
0x4b: {  	_ =	sdelay $0x1  }
0x4c: {  	s24 =	sadd.s32 $0xFFFFFFFF, s24;
	s23 =	sadd.s32 $0x10, s23;
	v8 =	vmax.f32 v8, v4  }
0x4d: {  	v4 =	vld [tilespmem:s23+$0x0]  }
.LBB2_7:
0x4e: {  	_ = 	snop  }
0x4f: {  	s23 =	simm.s32 $0x40  }
0x50: {  	v5 =	vld [tilespmem:s23+$0xFFFFFFC0]  }
0x51: {  	v6 =	vld [tilespmem:s23+$0x30]  }
0x52: {  	v4 =	vmax.f32 v8, v4  }
0x53: {  	v2 =	vmax.f32 v2, v3;
	v7 =	vld [tilespmem:s23+$0x0];
	v1 =	vmax.f32 v4, v1  }
0x54: {  	v1 =	vmax.f32 v1, v2;
	v2 =	vld [tilespmem:s23+$0xFFFFFFF0]  }
0x55: {  	v4 =	vld [tilespmem:s23+$0xFFFFFFD0];
	v3 =	vsub.f32 v5, v1  }
0x56: {  	v5 =	vsub.f32 v6, v1;
	v6 =	vld [tilespmem:s23+$0xFFFFFFE0]  }
0x57: {  	v8 =	vld [tilespmem:s23+$0x10];
	v3 =	vmul.f32 $1.442695020e+00, v3  }
0x58: {  	s24 =	simm.s32 $0xC0;
	v7 =	vsub.f32 v7, v1  }
0x59: {  	v5 =	vmul.f32 $1.442695020e+00, v5;
	(erf) = vpow2.f32 v3;
	v2 =	vsub.f32 v2, v1;
	v3 =	vld [tilespmem:s24+$0xFFFFFFC0]  }
0x5a: {  	v9 =	vld [tilespmem:s23+$0x20];
	v7 =	vmul.f32 $1.442695020e+00, v7;
	v4 =	vsub.f32 v4, v1  }
0x5b: {  	(erf) = vpow2.f32 v5;
	v5 =	vld [tilespmem:s24+$0x30];
	v6 =	vsub.f32 v6, v1;
	v2 =	vmul.f32 $1.442695020e+00, v2  }
0x5c: {  	v8 =	vsub.f32 v8, v1;
	v4 =	vmul.f32 $1.442695020e+00, v4;
	(erf) = vpow2.f32 v7;
	v7 =	vld [tilespmem:s24+$0x0]  }
0x5d: {  	v10 =	vld [tilespmem:s24+$0x20];
	v6 =	vmul.f32 $1.442695020e+00, v6;
	(erf) = vpow2.f32 v2  }
0x5e: {  	v2 =	vmul.f32 $1.442695020e+00, v8;
	(erf) = vpow2.f32 v4;
	v3 =	vsub.f32 v3, v1  }
0x5f: {  	v9 =	vsub.f32 v9, v1;
	v8 =	vld [tilespmem:s24+$0xFFFFFFF0];
	(erf) = vpow2.f32 v6  }
0x60: {  	v11 =	vld [tilespmem:s24+$0xFFFFFFD0];
	v5 =	vsub.f32 v5, v1;
	(erf) = vpow2.f32 v2;
	v2 =	vmul.f32 $1.442695020e+00, v3  }
0x61: {  	v12 =	vld [tilespmem:s24+$0xFFFFFFE0];
	v4 =	vmul.f32 $1.442695020e+00, v9;
	v3 =	vsub.f32 v7, v1  }
0x62: {  	v10 =	vsub.f32 v10, v1;
	v6 =	vld [tilespmem:s24+$0x10];
	v5 =	vmul.f32 $1.442695020e+00, v5  }
0x63: {  	(erf) = vpow2.f32 v4;
	v4 =	vimm.f32 $0.0e+00;
	v9 =	vpop (erf);
	v13 =	vmul.f32 $1.442695020e+00, v3  }
0x64: {  	(erf) = vpow2.f32 v2;
	v14 =	vsub.f32 v8, v1;
	v8 =	vimm.f32 $0.0e+00;
	v2 =	vpop (erf)  }
0x65: {  	s23 =	simm.s32 $0x8;
	s24 =	simm.s32 $0x140;
	v3 =	vimm.f32 $0.0e+00;
	(erf) = vpow2.f32 v5;
	v5 =	vimm.f32 $0.0e+00;
	v7 =	vpop (erf)  }
.LBB2_8:
0x66: {  	v15 =	vld [tilespmem:s24+$0xFFFFFFC0];
	s23 =	sadd.s32 $0x8, s23;
	v11 =	vsub.f32 v11, v1;
	(erf) = vpow2.f32 v13;
	v4 =	vadd.f32 v9, v4  }
0x67: {  	v13 =	vsub.f32 v6, v1;
	v9 =	vld [tilespmem:s24+$0x30];
	p3 =	slt.u32 s23, $0x798;
	v12 =	vsub.f32 v12, v1;
	v18 =	vmul.f32 $1.442695020e+00, v14;
	v6 =	vpop (erf)  }
0x68: {  	v10 =	vmul.f32 $1.442695020e+00, v10;
	v16 =	vld [tilespmem:s24+$0x0];
	v11 =	vmul.f32 $1.442695020e+00, v11;
	v8 =	vadd.f32 v6, v8;
	v17 =	vpop (erf)  }
0x69: {  	v6 =	vld [tilespmem:s24+$0x10];
	v12 =	vmul.f32 $1.442695020e+00, v12;
	(erf) = vpow2.f32 v18;
	v5 =	vadd.f32 v17, v5;
	v14 =	vpop (erf)  }
0x6a: {  	v19 =	vmul.f32 $1.442695020e+00, v13;
	v4 =	vadd.f32 v7, v4;
	v17 =	vld [tilespmem:s24+$0x20];
	(erf) = vpow2.f32 v11;
	v7 =	vpop (erf)  }
0x6b: {  	v15 =	vsub.f32 v15, v1;
	v18 =	vld [tilespmem:s24+$0xFFFFFFF0];
	(erf) = vpow2.f32 v12;
	v5 =	vadd.f32 v7, v5  }
.Ltmp4:
0x6c: {  	v3 =	vadd.f32 v14, v3;
	v11 =	vld [tilespmem:s24+$0xFFFFFFD0];
	v20 =	vsub.f32 v9, v1;
	(erf) = vpow2.f32 v19;
	v13 =	vpop (erf);
	(pc) =	sbr.rel @p3 .LBB2_8-.Ltmp4, $4  }
0x6d: {  	v8 =	vadd.f32 v2, v8;
	v14 =	vmul.f32 $1.442695020e+00, v15;
	v15 =	vsub.f32 v16, v1;
	v12 =	vld [tilespmem:s24+$0xFFFFFFE0];
	v9 =	vpop (erf)  }
0x6e: {  	v3 =	vadd.f32 v13, v3;
	v16 =	vmul.f32 $1.442695020e+00, v20;
	(erf) = vpow2.f32 v10;
	v2 =	vpop (erf)  }
0x6f: {  	v13 =	vmul.f32 $1.442695020e+00, v15;
	(erf) = vpow2.f32 v14;
	v7 =	vpop (erf)  }
0x70: {  	s24 =	sadd.s32 $0x80, s24;
	v10 =	vsub.f32 v17, v1;
	v14 =	vsub.f32 v18, v1;
	(erf) = vpow2.f32 v16  }
0x71: {  	v11 =	vsub.f32 v11, v1  }
0x72: {  	v6 =	vsub.f32 v6, v1;
	v14 =	vmul.f32 $1.442695020e+00, v14  }
0x73: {  	(erf) = vpow2.f32 v13;
	v12 =	vsub.f32 v12, v1;
	v11 =	vmul.f32 $1.442695020e+00, v11  }
0x74: {  	v6 =	vmul.f32 $1.442695020e+00, v6;
	(erf) = vpow2.f32 v14  }
0x75: {  	v56 =	vpop (erf);
	v12 =	vmul.f32 $1.442695020e+00, v12;
	(erf) = vpow2.f32 v11  }
0x76: {  	v57 =	vpop (erf)  }
0x77: {  	v58 =	vpop (erf);
	(erf) = vpow2.f32 v12  }
0x78: {  	v10 =	vmul.f32 $1.442695020e+00, v10;
	(erf) = vpow2.f32 v6;
	v6 =	vpop (erf)  }
0x79: {  	v59 =	vpop (erf)  }
0x7a: {  	v4 =	vadd.f32 v9, v4;
	(erf) = vpow2.f32 v10;
	v60 =	vpop (erf)  }
0x7b: {  	v5 =	vadd.f32 v57, v5;
	v61 =	vpop (erf)  }
0x7c: {  	v4 =	vadd.f32 v7, v4;
	v7 =	vpop (erf)  }
0x7d: {  	v8 =	vadd.f32 v56, v8;
	v5 =	vadd.f32 v6, v5;
	v6 =	vpop (erf)  }
0x7e: {  	s23 =	simm.s32 $0x7A00;
	v3 =	vadd.f32 v58, v3;
	v4 =	vadd.f32 v60, v4;
	v62 =	vpop (erf)  }
0x7f: {  	v2 =	vadd.f32 v2, v8;
	v8 =	vld [tilespmem:s23+$0x0];
	v5 =	vadd.f32 v62, v5  }
.Ltmp5:
0x80: {  	v3 =	vadd.f32 v59, v3;
	(pc) =	sbr.rel @!p2 .LBB2_10-.Ltmp5, $4  }
0x81: {  	v6 =	vadd.f32 v6, v2;
	v63 =	vpop (erf)  }
0x82: {  	v2 =	vadd.f32 v7, v4;
	v4 =	vpop (erf);
	v7 =	vadd.f32 v63, v3  }
0x83: {  	s24 =	simm.s32 $0x7A10;
	v3 =	vadd.f32 v4, v5;
	v4 =	vadd.f32 v61, v6;
	v5 =	vpop (erf)  }
0x84: {  	p4 =	por $0x0, $0x0;
	p3 =	por $0x0, $0x0;
	s23 =	sadd.s32 $0xFFFFFFFF, s4;
	v6 =	vsub.f32 v8, v1;
	v5 =	vadd.f32 v5, v7  }
0x85: {  	_ = 	snop  }
0x86: {  	v6 =	vmul.f32 $1.442695020e+00, v6;
	_ =	sdelay $0x1  }
0x87: {  	(erf) = vpow2.f32 v6;
	_ =	sdelay $0x2  }
0x88: {  	v7 =	vld [tilespmem:s24+$0x0];
	p5 =	sne.s32 s23, $0x1  }
.Ltmp6:
0x89: {  	_ = 	snop;
	(pc) =	sbr.rel @!p5 .LBB2_12-.Ltmp6, $2  }
0x8a: {  	_ =	sdelay $0x2  }
0x8b: {  	s24 =	sadd.s32 $0xFFFFFFFF, s23;
	s25 =	simm.s32 $0x7A20;
	p4 =	por $0x1, $0x1;
	v6 =	vsub.f32 v7, v1  }
0x8c: {  	_ = 	snop  }
0x8d: {  	v7 =	vld [tilespmem:s25+$0x0];
	p6 =	sne.s32 s24, $0x1;
	v6 =	vmul.f32 $1.442695020e+00, v6  }
.Ltmp7:
0x8e: {  	_ = 	snop;
	(pc) =	sbr.rel @!p6 .LBB2_14-.Ltmp7, $2  }
0x8f: {  	(erf) = vpow2.f32 v6;
	_ =	sdelay $0x2  }
0x90: {  	s24 =	sadd.s32 $0xFFFFFFFF, s24;
	s25 =	simm.s32 $0x7A30;
	p5 =	por $0x1, $0x1;
	v6 =	vsub.f32 v7, v1;
	v7 =	vmov v2  }
.LBB2_15:
0x91: {  	v8 =	vld [tilespmem:s25+$0x0];
	p6 =	sne.s32 s24, $0x1;
	s24 =	sadd.s32 $0xFFFFFFFF, s24;
	v9 =	vpop (erf)  }
.Ltmp8:
0x92: {  	v6 =	vmul.f32 $1.442695020e+00, v6;
	v7 =	vadd.f32 v9, v7;
	(pc) =	sbr.rel @p6 .LBB2_15-.Ltmp8, $3  }
0x93: {  	_ = 	snop  }
0x94: {  	(erf) = vpow2.f32 v6;
	_ =	sdelay $0x1  }
0x95: {  	s25 =	sadd.s32 $0x10, s25;
	v6 =	vsub.f32 v8, v1  }
.LBB2_16:
0x96: {  	_ = 	snop  }
0x97: {  	v6 =	vmul.f32 $1.442695020e+00, v6;
	_ =	sdelay $0x1  }
0x98: {  	(erf) = vpow2.f32 v6;
	_ =	sdelay $0x2  }
0x99: {  	v6 =	vpop @p5 (erf)  }
0x9a: {  	v6 =	vadd.f32 @p5 v6, v7;
	_ =	sdelay $0x1  }
0x9b: {  	v7 =	vpop @p4 (erf);
	v6 =	vpsel p5, v6, v2  }
0x9c: {  	v6 =	vadd.f32 @p4 v7, v6;
	_ =	sdelay $0x1  }
0x9d: {  	v2 =	vpsel p4, v6, v2;
	v63 =	vpop (erf)  }
0x9e: {  	v2 =	vadd.f32 v63, v2;
	_ =	sdelay $0x1  }
0x9f: {  	v2 =	vadd.f32 v2, v3;
	v3 =	vadd.f32 v4, v5;
	_ =	sdelay $0x1  }
0xa0: {  	v2 =	vadd.f32 v2, v3  }
0xa1: {  	[tilespmem:$0x7A80] =	vst v1  }
0xa2: {  	[tilespmem:$0x7B00] =	vst v2  }
0xa3: {  	[hbm4b:s8+s1] =	stream.linear.scatter [tilespmem:s17], [sflag:$0x3], $0x80, $0x38;
	[tilespmem:$0x9C80] =	vst v63  }
0xa4: {  	_ =	swait.ge [sflag:s18], $0x80  }
0xa5: {  	[sflag:s18] =	ssyncset.done $0x0  }
0xa6: {  	[sflag:s18] =	ssyncadd.s32 $0xFFFFFF80  }
0xa7: {  	[hbm4b:s9+s1] =	stream.linear.scatter [tilespmem:s19], [sflag:$0x3], $0x80, $0x38;
	[tilespmem:$0x9C80] =	vst v63  }
0xa8: {  	_ =	swait.ge [sflag:s18], $0x80  }
0xa9: {  	[sflag:s18] =	ssyncset.done $0x0  }
0xaa: {  	[sflag:s18] =	ssyncadd.s32 $0xFFFFFF80  }
0xab: {  	v1 =	vimm.f32 @!p1 $1.234567000e+06;
	[bflag:$0x0] =	sbarrier.arrive $0xFFFF  }
0xac: {  	s24 =	simm.s32 @!p1 $0x0;
	s25 =	simm.s32 @!p1 $0x7B80;
	[tilespmem:$0x7B80] =	vst @!p1 v1  }
0xad: {  	[hbm4b:s5+s24] =	stream.linear.scatter @!p1 [tilespmem:s25], [sflag:$0x3], $0x80, $0x38;
	[tilespmem:$0x9C80] =	vst v63  }
0xae: {  	s24 =	simm.s32 @!p1 $0x3  }
0xaf: {  	_ =	swait.ge @!p1 [sflag:s24], $0x80  }
0xb0: {  	s26 =	simm.s32 @!p3 $0x3;
	[sflag:s24] =	ssyncset.done @!p1 $0x0  }
0xb1: {  	s25 =	simm.s32 @!p3 $0x7C00;
	[sflag:s24] =	ssyncadd.s32 @!p1 $0xFFFFFF80;
	s24 =	simm.s32 @!p3 $0x0  }
0xb2: {  	[tilespmem:s25], [sflag:$0x3] =	stream.linear.gather @!p3 [hbm4b:s10+s24], $0x80, $0x38;
	[tilespmem:$0x9C80] =	vst v63  }
0xb3: {  	_ =	swait.ge @!p3 [sflag:s26], $0x80  }
0xb4: {  	[sflag:s26] =	ssyncset.done @!p3 $0x0  }
0xb5: {  	[sflag:s26] =	ssyncadd.s32 @!p3 $0xFFFFFF80  }
0xb6: {  	v1 =	vld [tilespmem:$0x7C00];
	_ =	sdelay $0x4  }
0xb7: {  	(v2sf) =	vpush v1, $0x0;
	_ =	sdelay $0xe  }
0xb8: {  	s31 =	spop (v2sf)  }
0xb9: {  	s24 =	simm.s32 $0x1F;
	p5 =	seq.f32 s31, $1.234567000e+06  }
.LBB2_17:
0xba: {  	_ = 	snop  }
0xbb: {  	s24 =	sadd.s32 $0xFFFFFFFF, s24;
	p3 =	por p3, p5  }
0xbc: {  	s25 =	simm.s32 @!p3 $0x0;
	s26 =	simm.s32 @!p3 $0x7C00;
	s28 =	simm.s32 @!p3 $0x3  }
0xbd: {  	[tilespmem:s26], [sflag:$0x3] =	stream.linear.gather @!p3 [hbm4b:s10+s25], $0x80, $0x38;
	[tilespmem:$0x9C80] =	vst v63  }
0xbe: {  	p4 =	sne.s32 s24, $0x0;
	_ =	swait.ge @!p3 [sflag:s28], $0x80  }
0xbf: {  	[sflag:s28] =	ssyncset.done @!p3 $0x0  }
0xc0: {  	[sflag:s28] =	ssyncadd.s32 @!p3 $0xFFFFFF80  }
0xc1: {  	v1 =	vld [tilespmem:$0x7C00];
	_ =	sdelay $0x4  }
0xc2: {  	(v2sf) =	vpush v1, $0x0;
	_ =	sdelay $0xb  }
.Ltmp9:
0xc3: {  	(pc) =	sbr.rel @p4 .LBB2_17-.Ltmp9, $3  }
0xc4: {  	_ =	sdelay $0x1  }
0xc5: {  	s25 =	spop (v2sf)  }
0xc6: {  	p5 =	seq.f32 s25, $1.234567000e+06  }
0xc7: {  	s24 =	simm.s32 $0x0  }
0xc8: {  	[tilespmem:s20], [sflag:$0x3] =	stream.linear.gather [hbm4b:s2+s24], $0x1000, $0x38;
	[tilespmem:$0x9C80] =	vst v63  }
0xc9: {  	_ =	swait.ge [sflag:s18], $0x1000  }
0xca: {  	[sflag:s18] =	ssyncset.done $0x0  }
0xcb: {  	[sflag:s18] =	ssyncadd.s32 $0xFFFFF000  }
0xcc: {  	[tilespmem:s21], [sflag:$0x3] =	stream.linear.gather [hbm4b:s3+s24], $0x1000, $0x38;
	[tilespmem:$0x9C80] =	vst v63  }
0xcd: {  	_ =	swait.ge [sflag:s18], $0x1000  }
0xce: {  	[sflag:s18] =	ssyncset.done $0x0  }
0xcf: {  	[sflag:s18] =	ssyncadd.s32 $0xFFFFF000  }
0xd0: {  	v1 =	vld [tilespmem:$0x7C80]  }
0xd1: {  	v2 =	vld [tilespmem:$0x7D00]  }
0xd2: {  	v3 =	vld [tilespmem:$0x7D80]  }
0xd3: {  	v4 =	vld [tilespmem:$0x7E00]  }
0xd4: {  	v5 =	vld [tilespmem:$0x7E80]  }
0xd5: {  	v6 =	vld [tilespmem:$0x7F00]  }
0xd6: {  	v1 =	vmax.f32 v1, v2;
	v2 =	vld [tilespmem:$0x7F80]  }
0xd7: {  	v1 =	vmax.f32 v1, v3;
	v3 =	vld [tilespmem:$0x8000]  }
0xd8: {  	v1 =	vmax.f32 v1, v4;
	v4 =	vld [tilespmem:$0x8080]  }
0xd9: {  	v1 =	vmax.f32 v1, v5;
	v5 =	vld [tilespmem:$0x8100]  }
0xda: {  	v1 =	vmax.f32 v1, v6;
	v6 =	vld [tilespmem:$0x8180]  }
0xdb: {  	v1 =	vmax.f32 v1, v2;
	v2 =	vld [tilespmem:$0x8200]  }
0xdc: {  	v1 =	vmax.f32 v1, v3;
	v3 =	vld [tilespmem:$0x8280]  }
0xdd: {  	v1 =	vmax.f32 v1, v4;
	v4 =	vld [tilespmem:$0x8300]  }
0xde: {  	v1 =	vmax.f32 v1, v5;
	v5 =	vld [tilespmem:$0x8380]  }
0xdf: {  	v1 =	vmax.f32 v1, v6;
	v6 =	vld [tilespmem:$0x8400]  }
0xe0: {  	v1 =	vmax.f32 v1, v2;
	v2 =	vld [tilespmem:$0x8480]  }
0xe1: {  	v1 =	vmax.f32 v1, v3;
	v3 =	vld [tilespmem:$0x8500]  }
0xe2: {  	v1 =	vmax.f32 v1, v4;
	v4 =	vld [tilespmem:$0x8580]  }
0xe3: {  	v1 =	vmax.f32 v1, v5;
	v5 =	vld [tilespmem:$0x8600]  }
0xe4: {  	v1 =	vmax.f32 v1, v6;
	v6 =	vld [tilespmem:$0x8680]  }
0xe5: {  	v1 =	vmax.f32 v1, v2;
	v2 =	vld [tilespmem:$0x8700]  }
0xe6: {  	v1 =	vmax.f32 v1, v3;
	v3 =	vld [tilespmem:$0x8780]  }
0xe7: {  	v1 =	vmax.f32 v1, v4;
	v4 =	vld [tilespmem:$0x8800]  }
0xe8: {  	v1 =	vmax.f32 v1, v5;
	v5 =	vld [tilespmem:$0x8880]  }
0xe9: {  	v1 =	vmax.f32 v1, v6;
	v6 =	vld [tilespmem:$0x8900]  }
0xea: {  	v1 =	vmax.f32 v1, v2;
	v2 =	vld [tilespmem:$0x8980]  }
0xeb: {  	v1 =	vmax.f32 v1, v3;
	v3 =	vld [tilespmem:$0x8A00]  }
0xec: {  	v1 =	vmax.f32 v1, v4;
	v4 =	vld [tilespmem:$0x8A80]  }
0xed: {  	v1 =	vmax.f32 v1, v5;
	v5 =	vld [tilespmem:$0x8B00]  }
0xee: {  	v1 =	vmax.f32 v1, v6;
	v6 =	vld [tilespmem:$0x8B80]  }
0xef: {  	v1 =	vmax.f32 v1, v2;
	v2 =	vld [tilespmem:$0x8C00]  }
0xf0: {  	v1 =	vmax.f32 v1, v3  }
0xf1: {  	v1 =	vmax.f32 v1, v4  }
0xf2: {  	v1 =	vmax.f32 v1, v5  }
0xf3: {  	v1 =	vmax.f32 v1, v6  }
0xf4: {  	v1 =	vmax.f32 v1, v2  }
0xf5: {  	(v2sf) =	vpush v1, $0x0  }
0xf6: {  	(v2sf) =	vpush v1, $0x1  }
0xf7: {  	(v2sf) =	vpush v1, $0x2  }
0xf8: {  	(v2sf) =	vpush v1, $0x3  }
0xf9: {  	(v2sf) =	vpush v1, $0x4  }
0xfa: {  	(v2sf) =	vpush v1, $0x5  }
0xfb: {  	(v2sf) =	vpush v1, $0x6  }
0xfc: {  	(v2sf) =	vpush v1, $0x7  }
0xfd: {  	(v2sf) =	vpush v1, $0x8  }
0xfe: {  	(v2sf) =	vpush v1, $0x9  }
0xff: {  	(v2sf) =	vpush v1, $0xA  }
0x100: {  	(v2sf) =	vpush v1, $0xB  }
0x101: {  	(v2sf) =	vpush v1, $0xC  }
0x102: {  	(v2sf) =	vpush v1, $0xD  }
0x103: {  	(v2sf) =	vpush v1, $0xE  }
0x104: {  	s29 =	spop (v2sf);
	(v2sf) =	vpush v1, $0xF  }
0x105: {  	s25 =	spop (v2sf)  }
0x106: {  	s26 =	spop (v2sf);
	s24 =	smax.f32 s29, s25  }
0x107: {  	s30 =	spop (v2sf);
	s24 =	smax.f32 s24, s26  }
0x108: {  	s31 =	spop (v2sf);
	s24 =	smax.f32 s24, s30  }
0x109: {  	s28 =	spop (v2sf);
	s24 =	smax.f32 s24, s31  }
0x10a: {  	s29 =	spop (v2sf);
	s24 =	smax.f32 s24, s28  }
0x10b: {  	s30 =	spop (v2sf);
	s24 =	smax.f32 s24, s29  }
0x10c: {  	s31 =	spop (v2sf);
	s24 =	smax.f32 s24, s30  }
0x10d: {  	s28 =	spop (v2sf);
	s24 =	smax.f32 s24, s31  }
0x10e: {  	s29 =	spop (v2sf);
	s24 =	smax.f32 s24, s28  }
0x10f: {  	s30 =	spop (v2sf);
	s24 =	smax.f32 s24, s29  }
0x110: {  	s28 =	simm.s32 $0x0;
	s31 =	spop (v2sf);
	s24 =	smax.f32 s24, s30  }
0x111: {  	v2 =	vld [tilespmem:s28+$0x7C80];
	s29 =	spop (v2sf);
	s26 =	smax.f32 s24, s31  }
0x112: {  	s25 =	smax.f32 s26, s29;
	s30 =	spop (v2sf)  }
0x113: {  	s24 =	simm.s32 $0x80;
	s25 =	smax.f32 s25, s30;
	s31 =	spop (v2sf)  }
0x114: {  	v3 =	vld [tilespmem:s24+$0x7C80];
	s25 =	smax.f32 s25, s31  }
0x115: {  	v1 =	vmov s25  }
0x116: {  	v2 =	vsub.f32 v2, v1;
	_ =	sdelay $0x1  }
0x117: {  	v2 =	vmul.f32 $1.442695020e+00, v2  }
0x118: {  	v3 =	vsub.f32 v3, v1  }
0x119: {  	(erf) = vpow2.f32 v2  }
0x11a: {  	v5 =	vmul.f32 $1.442695020e+00, v3  }
0x11b: {  	s25 =	simm.s32 $0x100  }
0x11c: {  	v4 =	vld [tilespmem:s25+$0x7C80];
	(erf) = vpow2.f32 v5;
	_ =	sdelay $0x1  }
0x11d: {  	v3 =	vld [tilespmem:s28+$0x8C80]  }
0x11e: {  	s26 =	simm.s32 $0x600;
	v2 =	vimm.f32 $0.0e+00  }
.LBB2_19:
0x11f: {  	p3 =	sne.s32 s26, $0x3E00  }
.Ltmp10:
0x120: {  	s28 =	sshra.s32 s26, $0x2;
	s26 =	sadd.s32 $0x200, s26;
	v5 =	vsub.f32 v4, v1;
	(pc) =	sbr.rel @p3 .LBB2_19-.Ltmp10, $4  }
0x121: {  	v4 =	vld [tilespmem:s28+$0x7C80];
	v6 =	vpop (erf)  }
0x122: {  	v5 =	vmul.f32 $1.442695020e+00, v5;
	v6 =	vmul.f32 v6, v3  }
0x123: {  	v3 =	vld [tilespmem:s24+$0x8C80];
	s24 =	smov.u32 s25;
	s25 =	smov.u32 s28  }
0x124: {  	(erf) = vpow2.f32 v5;
	v2 =	vadd.f32 v6, v2  }
0x125: {  	_ = 	snop  }
0x126: {  	v4 =	vsub.f32 v4, v1;
	_ =	sdelay $0x1  }
0x127: {  	v4 =	vmul.f32 $1.442695020e+00, v4;
	_ =	sdelay $0x1  }
0x128: {  	(erf) = vpow2.f32 v4;
	_ =	sdelay $0x2  }
0x129: {  	v4 =	vld [tilespmem:s24+$0x8C80];
	_ =	sdelay $0x1  }
0x12a: {  	v5 =	vpop (erf);
	v6 =	vld [tilespmem:s25+$0x8C80]  }
0x12b: {  	v3 =	vmul.f32 v5, v3  }
0x12c: {  	v5 =	vpop (erf)  }
0x12d: {  	v2 =	vadd.f32 v3, v2;
	v3 =	vmul.f32 v5, v4  }
0x12e: {  	v4 =	vpop (erf)  }
0x12f: {  	v2 =	vadd.f32 v3, v2;
	v3 =	vmul.f32 v4, v6;
	_ =	sdelay $0x1  }
0x130: {  	v2 =	vadd.f32 v3, v2;
	_ =	sdelay $0x1  }
0x131: {  	(v2sf) =	vpush v2, $0x0  }
0x132: {  	(v2sf) =	vpush v2, $0x1;
	_ =	sdelay $0x1  }
0x133: {  	(v2sf) =	vpush v2, $0x2;
	_ =	sdelay $0x1  }
0x134: {  	(v2sf) =	vpush v2, $0x3;
	_ =	sdelay $0x1  }
0x135: {  	(v2sf) =	vpush v2, $0x4;
	_ =	sdelay $0x1  }
0x136: {  	(v2sf) =	vpush v2, $0x5;
	_ =	sdelay $0x1  }
0x137: {  	(v2sf) =	vpush v2, $0x6;
	_ =	sdelay $0x1  }
0x138: {  	(v2sf) =	vpush v2, $0x7;
	_ =	sdelay $0x1  }
0x139: {  	s26 =	spop (v2sf);
	(v2sf) =	vpush v2, $0x8  }
0x13a: {  	s30 =	spop (v2sf)  }
0x13b: {  	(v2sf) =	vpush v2, $0x9;
	s24 =	sadd.f32 s30, s26  }
0x13c: {  	s31 =	spop (v2sf)  }
0x13d: {  	(v2sf) =	vpush v2, $0xA;
	s24 =	sadd.f32 s24, s31  }
0x13e: {  	s26 =	spop (v2sf)  }
0x13f: {  	(v2sf) =	vpush v2, $0xB;
	s24 =	sadd.f32 s24, s26  }
0x140: {  	s30 =	spop (v2sf)  }
0x141: {  	(v2sf) =	vpush v2, $0xC;
	s24 =	sadd.f32 s24, s30  }
0x142: {  	s31 =	spop (v2sf)  }
0x143: {  	(v2sf) =	vpush v2, $0xD;
	s24 =	sadd.f32 s24, s31  }
0x144: {  	s26 =	spop (v2sf)  }
0x145: {  	(v2sf) =	vpush v2, $0xE;
	s24 =	sadd.f32 s24, s26  }
0x146: {  	s30 =	spop (v2sf)  }
0x147: {  	(v2sf) =	vpush v2, $0xF;
	s24 =	sadd.f32 s24, s30  }
0x148: {  	s31 =	spop (v2sf)  }
0x149: {  	s24 =	sadd.f32 s24, s31  }
0x14a: {  	s26 =	spop (v2sf)  }
0x14b: {  	s24 =	sadd.f32 s24, s26  }
0x14c: {  	s30 =	spop (v2sf)  }
0x14d: {  	s24 =	sadd.f32 s24, s30  }
0x14e: {  	s31 =	spop (v2sf)  }
0x14f: {  	s24 =	sadd.f32 s24, s31  }
0x150: {  	s26 =	spop (v2sf)  }
0x151: {  	s25 =	sadd.f32 s24, s26;
	s24 =	simm.s32 $0x20  }
0x152: {  	s26 =	spop (v2sf);
	v2 =	vld [tilespmem:s24+$0x10]  }
0x153: {  	v3 =	vld [tilespmem:s24+$0xFFFFFFF0];
	s25 =	sadd.f32 s25, s26  }
0x154: {  	s30 =	spop (v2sf)  }
0x155: {  	v4 =	vld [tilespmem:s24+$0x0];
	s25 =	sadd.f32 s25, s30  }
0x156: {  	s31 =	spop (v2sf)  }
0x157: {  	v5 =	vld [tilespmem:s24+$0xFFFFFFE0];
	s26 =	sadd.f32 s25, s31;
	v2 =	vsub.f32 v2, v1  }
0x158: {  	v3 =	vsub.f32 v3, v1;
	s25 =	simm.s32 $0x60  }
0x159: {  	v7 =	vld [tilespmem:s25+$0x10];
	v6 =	vmov s26;
	v2 =	vmul.f32 $1.442695020e+00, v2  }
0x15a: {  	v4 =	vsub.f32 v4, v1;
	v3 =	vmul.f32 $1.442695020e+00, v3;
	(erf) = vrcp.f32 v6;
	v6 =	vld [tilespmem:s25+$0xFFFFFFF0]  }
0x15b: {  	v8 =	vld [tilespmem:s25+$0x0];
	(erf) = vpow2.f32 v2  }
0x15c: {  	v4 =	vmul.f32 $1.442695020e+00, v4;
	v2 =	vld [tilespmem:s25+$0xFFFFFFE0];
	(erf) = vpow2.f32 v3;
	v3 =	vsub.f32 v5, v1;
	_ =	sdelay $0x1  }
0x15d: {  	(erf) = vpow2.f32 v4;
	v4 =	vsub.f32 v7, v1;
	v3 =	vmul.f32 $1.442695020e+00, v3  }
0x15e: {  	v5 =	vsub.f32 v6, v1  }
0x15f: {  	v7 =	vsub.f32 v8, v1;
	v4 =	vmul.f32 $1.442695020e+00, v4;
	(erf) = vpow2.f32 v3  }
0x160: {  	s26 =	simm.s32 $0xA0;
	v3 =	vsub.f32 v2, v1;
	v5 =	vmul.f32 $1.442695020e+00, v5  }
0x161: {  	v6 =	vld [tilespmem:s26+$0x10];
	v7 =	vmul.f32 $1.442695020e+00, v7;
	(erf) = vpow2.f32 v4  }
0x162: {  	v8 =	vld [tilespmem:s26+$0xFFFFFFF0];
	v4 =	vmul.f32 $1.442695020e+00, v3;
	(erf) = vpow2.f32 v5  }
0x163: {  	v3 =	vld [tilespmem:s26+$0x0];
	v2 =	vpop (erf);
	(erf) = vpow2.f32 v7  }
0x164: {  	v5 =	vpop (erf);
	(erf) = vpow2.f32 v4;
	v4 =	vld [tilespmem:s26+$0xFFFFFFE0];
	_ =	sdelay $0x1  }
0x165: {  	v7 =	vsub.f32 v6, v1;
	v9 =	vpop (erf);
	v6 =	vmul.f32 v5, v2  }
0x166: {  	s28 =	simm.s32 $0x8;
	s29 =	simm.s32 $0xE0;
	v8 =	vsub.f32 v8, v1;
	v5 =	vmul.f32 v9, v2;
	v9 =	vpop (erf)  }
.LBB2_21:
0x167: {  	v10 =	vld [tilespmem:s29+$0x10];
	s28 =	sadd.s32 $0x4, s28;
	v11 =	vsub.f32 v3, v1;
	v7 =	vmul.f32 $1.442695020e+00, v7;
	v9 =	vmul.f32 v9, v2;
	[tilespmem:s24+$0x10] =	vst v6;
	v3 =	vpop (erf)  }
0x168: {  	v12 =	vld [tilespmem:s29+$0xFFFFFFF0];
	p3 =	slt.u32 s28, $0x3CC;
	v6 =	vsub.f32 v4, v1;
	v8 =	vmul.f32 $1.442695020e+00, v8;
	v13 =	vmul.f32 v3, v2;
	[tilespmem:s24+$0xFFFFFFF0] =	vst v5  }
.Ltmp11:
0x169: {  	v3 =	vld [tilespmem:s29+$0x0];
	v11 =	vmul.f32 $1.442695020e+00, v11;
	(erf) = vpow2.f32 v7;
	[tilespmem:s24+$0x0] =	vst v9;
	(pc) =	sbr.rel @p3 .LBB2_21-.Ltmp11, $4  }
0x16a: {  	v4 =	vld [tilespmem:s29+$0xFFFFFFE0];
	v6 =	vmul.f32 $1.442695020e+00, v6;
	(erf) = vpow2.f32 v8;
	[tilespmem:s24+$0xFFFFFFE0] =	vst v13;
	s24 =	smov.u32 s25;
	s25 =	smov.u32 s26;
	s26 =	smov.u32 s29  }
0x16b: {  	(erf) = vpow2.f32 v11;
	v5 =	vpop (erf)  }
0x16c: {  	v7 =	vsub.f32 v10, v1;
	(erf) = vpow2.f32 v6;
	v6 =	vmul.f32 v5, v2;
	v5 =	vpop (erf)  }
0x16d: {  	s29 =	sadd.s32 $0x40, s29;
	v8 =	vsub.f32 v12, v1;
	v5 =	vmul.f32 v5, v2;
	v9 =	vpop (erf)  }
0x16e: {  	v3 =	vsub.f32 v3, v1  }
0x16f: {  	v7 =	vmul.f32 $1.442695020e+00, v7  }
0x170: {  	v4 =	vsub.f32 v4, v1;
	v8 =	vmul.f32 $1.442695020e+00, v8;
	v3 =	vmul.f32 $1.442695020e+00, v3  }
0x171: {  	(erf) = vpow2.f32 v7  }
0x172: {  	v4 =	vmul.f32 $1.442695020e+00, v4;
	(erf) = vpow2.f32 v8  }
0x173: {  	(erf) = vpow2.f32 v3  }
0x174: {  	[tilespmem:s24+$0x10] =	vst v6;
	(erf) = vpow2.f32 v4;
	v4 =	vmul.f32 v9, v2;
	v3 =	vpop (erf)  }
0x175: {  	[tilespmem:s24+$0xFFFFFFF0] =	vst v5;
	v6 =	vpop (erf);
	v3 =	vmul.f32 v3, v2  }
0x176: {  	[tilespmem:s24+$0x0] =	vst v4;
	v4 =	vmul.f32 v6, v2;
	v5 =	vpop (erf)  }
0x177: {  	[tilespmem:s24+$0xFFFFFFE0] =	vst v3;
	v3 =	vmul.f32 v5, v2;
	_ =	sdelay $0x1  }
0x178: {  	v5 =	vpop (erf)  }
0x179: {  	v5 =	vmul.f32 v5, v2;
	[tilespmem:s25+$0x10] =	vst v4;
	v4 =	vpop (erf)  }
0x17a: {  	[tilespmem:s25+$0xFFFFFFF0] =	vst v3;
	v3 =	vpop (erf)  }
0x17b: {  	v3 =	vmul.f32 v3, v2  }
0x17c: {  	v4 =	vmul.f32 v4, v2  }
0x17d: {  	[tilespmem:s25+$0x0] =	vst v5;
	v5 =	vpop (erf)  }
0x17e: {  	[tilespmem:s25+$0xFFFFFFE0] =	vst v4;
	v4 =	vmul.f32 v5, v2;
	v5 =	vpop (erf)  }
0x17f: {  	v5 =	vmul.f32 v5, v2;
	[tilespmem:s26+$0x10] =	vst v3;
	v3 =	vpop (erf)  }
0x180: {  	[tilespmem:s26+$0xFFFFFFF0] =	vst v4;
	v3 =	vmul.f32 v3, v2  }
0x181: {  	[tilespmem:s26+$0x0] =	vst v5  }
0x182: {  	s25 =	simm.s32 $0x3D30;
	[tilespmem:s26+$0xFFFFFFE0] =	vst v3  }
0x183: {  	[hbm4b:s11+s1] =	stream.linear.scatter [tilespmem:s1], [sflag:$0x1], $0x3D00, $0x38;
	[tilespmem:$0x9C80] =	vst v63  }
0x184: {  	v3 =	vld [tilespmem:s25+$0x0]  }
0x185: {  	v4 =	vld [tilespmem:s25+$0xFFFFFFE0];
	_ =	sdelay $0x2  }
0x186: {  	v5 =	vld [tilespmem:s25+$0xFFFFFFF0]  }
0x187: {  	v6 =	vld [tilespmem:s25+$0xFFFFFFD0];
	v3 =	vsub.f32 v3, v1  }
0x188: {  	s24 =	simm.s32 $0x3D70;
	v4 =	vsub.f32 v4, v1  }
0x189: {  	v7 =	vld [tilespmem:s24+$0x0];
	v3 =	vmul.f32 $1.442695020e+00, v3  }
0x18a: {  	v8 =	vld [tilespmem:s24+$0xFFFFFFE0];
	v4 =	vmul.f32 $1.442695020e+00, v4  }
0x18b: {  	v9 =	vld [tilespmem:s24+$0xFFFFFFF0];
	v5 =	vsub.f32 v5, v1;
	(erf) = vpow2.f32 v3  }
0x18c: {  	v3 =	vld [tilespmem:s24+$0xFFFFFFD0];
	(erf) = vpow2.f32 v4;
	v4 =	vsub.f32 v6, v1  }
0x18d: {  	v5 =	vmul.f32 $1.442695020e+00, v5  }
0x18e: {  	v4 =	vmul.f32 $1.442695020e+00, v4  }
0x18f: {  	(erf) = vpow2.f32 v5;
	v5 =	vsub.f32 v7, v1  }
0x190: {  	v6 =	vsub.f32 v8, v1;
	v8 =	vsub.f32 v9, v1;
	(erf) = vpow2.f32 v4  }
0x191: {  	s26 =	simm.s32 $0x3DB0;
	v5 =	vmul.f32 $1.442695020e+00, v5;
	v3 =	vsub.f32 v3, v1  }
0x192: {  	v7 =	vld [tilespmem:s26+$0x0];
	v4 =	vmul.f32 $1.442695020e+00, v6;
	v6 =	vmul.f32 $1.442695020e+00, v8  }
0x193: {  	v9 =	vld [tilespmem:s26+$0xFFFFFFE0];
	(erf) = vpow2.f32 v5;
	v5 =	vmul.f32 $1.442695020e+00, v3  }
0x194: {  	(erf) = vpow2.f32 v4;
	v3 =	vld [tilespmem:s26+$0xFFFFFFF0]  }
0x195: {  	v4 =	vld [tilespmem:s26+$0xFFFFFFD0];
	(erf) = vpow2.f32 v6  }
0x196: {  	v6 =	vpop (erf);
	(erf) = vpow2.f32 v5  }
0x197: {  	v7 =	vsub.f32 v7, v1;
	v6 =	vmul.f32 v6, v2;
	v5 =	vpop (erf)  }
0x198: {  	s28 =	simm.s32 $0x3D8;
	s29 =	simm.s32 $0x3DF0;
	v8 =	vsub.f32 v9, v1;
	v5 =	vmul.f32 v5, v2;
	v9 =	vpop (erf)  }
.LBB2_23:
0x199: {  	v10 =	vld [tilespmem:s29+$0x0];
	s28 =	sadd.s32 $0x4, s28;
	v11 =	vsub.f32 v3, v1;
	v7 =	vmul.f32 $1.442695020e+00, v7;
	v9 =	vmul.f32 v9, v2;
	[tilespmem:s25+$0x0] =	vst v6;
	v3 =	vpop (erf)  }
0x19a: {  	v12 =	vld [tilespmem:s29+$0xFFFFFFE0];
	p3 =	slt.u32 s28, $0x79C;
	v6 =	vsub.f32 v4, v1;
	v8 =	vmul.f32 $1.442695020e+00, v8;
	v13 =	vmul.f32 v3, v2;
	[tilespmem:s25+$0xFFFFFFE0] =	vst v5  }
.Ltmp12:
0x19b: {  	v3 =	vld [tilespmem:s29+$0xFFFFFFF0];
	v11 =	vmul.f32 $1.442695020e+00, v11;
	(erf) = vpow2.f32 v7;
	[tilespmem:s25+$0xFFFFFFF0] =	vst v9;
	(pc) =	sbr.rel @p3 .LBB2_23-.Ltmp12, $4  }
0x19c: {  	v4 =	vld [tilespmem:s29+$0xFFFFFFD0];
	v6 =	vmul.f32 $1.442695020e+00, v6;
	(erf) = vpow2.f32 v8;
	[tilespmem:s25+$0xFFFFFFD0] =	vst v13;
	s25 =	smov.u32 s24;
	s24 =	smov.u32 s26;
	s26 =	smov.u32 s29  }
0x19d: {  	(erf) = vpow2.f32 v11;
	v5 =	vpop (erf)  }
0x19e: {  	v7 =	vsub.f32 v10, v1;
	(erf) = vpow2.f32 v6;
	v6 =	vmul.f32 v5, v2;
	v5 =	vpop (erf)  }
0x19f: {  	s29 =	sadd.s32 $0x40, s29;
	v8 =	vsub.f32 v12, v1;
	v5 =	vmul.f32 v5, v2;
	v9 =	vpop (erf)  }
0x1a0: {  	v3 =	vsub.f32 v3, v1  }
0x1a1: {  	v7 =	vmul.f32 $1.442695020e+00, v7  }
0x1a2: {  	v4 =	vsub.f32 v4, v1;
	v8 =	vmul.f32 $1.442695020e+00, v8;
	v3 =	vmul.f32 $1.442695020e+00, v3  }
0x1a3: {  	(erf) = vpow2.f32 v7  }
0x1a4: {  	v4 =	vmul.f32 $1.442695020e+00, v4;
	(erf) = vpow2.f32 v8  }
0x1a5: {  	(erf) = vpow2.f32 v3  }
0x1a6: {  	(erf) = vpow2.f32 v4;
	v4 =	vmul.f32 v9, v2;
	v3 =	vpop (erf)  }
0x1a7: {  	[tilespmem:s25+$0xFFFFFFE0] =	vst v5;
	v63 =	vpop (erf);
	v3 =	vmul.f32 v3, v2  }
0x1a8: {  	[tilespmem:s25+$0xFFFFFFF0] =	vst v4;
	v4 =	vmul.f32 v63, v2;
	v5 =	vpop (erf)  }
0x1a9: {  	[tilespmem:s25+$0xFFFFFFD0] =	vst v3;
	v3 =	vmul.f32 v5, v2;
	_ =	sdelay $0x1  }
0x1aa: {  	v5 =	vpop (erf)  }
0x1ab: {  	v5 =	vmul.f32 v5, v2;
	[tilespmem:s24+$0x0] =	vst v4;
	v4 =	vpop (erf)  }
0x1ac: {  	[tilespmem:s24+$0xFFFFFFE0] =	vst v3;
	v3 =	vpop (erf)  }
0x1ad: {  	v3 =	vmul.f32 v3, v2  }
0x1ae: {  	[tilespmem:s25+$0x0] =	vst v6;
	v4 =	vmul.f32 v4, v2  }
0x1af: {  	[tilespmem:s24+$0xFFFFFFF0] =	vst v5;
	v5 =	vpop (erf)  }
0x1b0: {  	[tilespmem:s24+$0xFFFFFFD0] =	vst v4;
	v4 =	vmul.f32 v5, v2;
	v5 =	vpop (erf)  }
.Ltmp13:
0x1b1: {  	v5 =	vmul.f32 v5, v2;
	[tilespmem:s26+$0x0] =	vst v3;
	v3 =	vpop (erf);
	(pc) =	sbr.rel @!p2 .LBB2_26-.Ltmp13, $4  }
0x1b2: {  	[tilespmem:s26+$0xFFFFFFE0] =	vst v4;
	v3 =	vmul.f32 v3, v2  }
0x1b3: {  	[tilespmem:s26+$0xFFFFFFF0] =	vst v5  }
0x1b4: {  	s24 =	simm.s32 $0x7A00;
	[tilespmem:s26+$0xFFFFFFD0] =	vst v3  }
0x1b5: {  	v3 =	vld [tilespmem:s24+$0x0]  }
.LBB2_25:
0x1b6: {  	p2 =	sne.s32 s23, $0x1;
	_ =	sdelay $0x3  }
0x1b7: {  	v3 =	vsub.f32 v3, v1;
	_ =	sdelay $0x1  }
0x1b8: {  	v3 =	vmul.f32 $1.442695020e+00, v3;
	_ =	sdelay $0x1  }
0x1b9: {  	(erf) = vpow2.f32 v3;
	_ =	sdelay $0x8  }
.Ltmp14:
0x1ba: {  	v3 =	vpop (erf);
	(pc) =	sbr.rel @p2 .LBB2_25-.Ltmp14, $3  }
0x1bb: {  	v3 =	vmul.f32 v3, v2;
	_ =	sdelay $0x1  }
0x1bc: {  	[tilespmem:s24+$0x0] =	vst v3;
	s24 =	sadd.s32 $0x10, s24  }
0x1bd: {  	s23 =	sadd.s32 $0xFFFFFFFF, s23;
	v3 =	vld [tilespmem:s24+$0x0]  }
.LBB2_26:
0x1be: {  	_ =	sdelay $0x3  }
0x1bf: {  	v1 =	vsub.f32 v3, v1;
	_ =	sdelay $0x1  }
0x1c0: {  	v1 =	vmul.f32 $1.442695020e+00, v1;
	_ =	sdelay $0x1  }
0x1c1: {  	(erf) = vpow2.f32 v1;
	_ =	sdelay $0x8  }
0x1c2: {  	v1 =	vpop (erf)  }
0x1c3: {  	v1 =	vmul.f32 v1, v2;
	_ =	sdelay $0x1  }
0x1c4: {  	s23 =	simm.s32 @p0 $0x0;
	[tilespmem:s24+$0x0] =	vst v1;
	s24 =	simm.s32 @p0 $0x3D00  }
0x1c5: {  	[hbm4b:s12+s23] =	stream.linear.scatter @p0 [tilespmem:s24], [sflag:$0x3], $0x3D50, $0x38;
	[tilespmem:$0x9C80] =	vst v63  }
0x1c6: {  	s23 =	simm.s32 @p0 $0x3  }
0x1c7: {  	_ =	swait.ge @p0 [sflag:s23], $0x3D50  }
0x1c8: {  	[sflag:s23] =	ssyncset.done @p0 $0x0  }
0x1c9: {  	s24 =	simm.s32 @!p0 $0x3D00;
	[sflag:s23] =	ssyncadd.s32 @p0 $0xFFFFC2B0;
	s23 =	simm.s32 @!p0 $0x0  }
0x1ca: {  	[hbm4b:s12+s23] =	stream.linear.scatter @!p0 [tilespmem:s24], [sflag:$0x3], $0x3D10, $0x38;
	[tilespmem:$0x9C80] =	vst v63  }
0x1cb: {  	s22 =	sadd.s32 $0x1, s22;
	s23 =	simm.s32 @!p0 $0x3  }
0x1cc: {  	p2 =	sne.s32 s22, s13;
	_ =	swait.ge @!p0 [sflag:s23], $0x3D10  }
.Ltmp15:
0x1cd: {  	[sflag:s23] =	ssyncset.done @!p0 $0x0;
	(pc) =	sbr.rel @p2 .LBB2_1-.Ltmp15, $4  }
.Ltmp16:
0x1ce: {  	[sflag:s23] =	ssyncadd.s32 @!p0 $0xFFFFC2F0;
	(pc) =	sbr.rel @!p2 .LBB2_27-.Ltmp16, $4  }
0x1cf: {  	_ =	swait.ge [sflag:s15], $0x3D00  }
0x1d0: {  	[sflag:s15] =	ssyncset.done $0x0  }
0x1d1: {  	[sflag:s15] =	ssyncadd.s32 $0xFFFFC300  }
0x1d2: {  	_ = 	snop  }
.LBB2_10:
.Ltmp17:
0x1d3: {  	(pc) =	sbr.rel .LBB2_16-.Ltmp17, $2  }
0x1d4: {  	_ =	sdelay $0x2  }
0x1d5: {  	v7 =	vmov v2;
	p5 =	por $0x0, $0x0  }
.LBB2_12:
.Ltmp18:
0x1d6: {  	(pc) =	sbr.rel .LBB2_16-.Ltmp18, $2  }
0x1d7: {  	_ =	sdelay $0x2  }
0x1d8: {  	v7 =	vmov v2;
	p5 =	por $0x0, $0x0  }
.LBB2_14:
.Ltmp19:
0x1d9: {  	(pc) =	sbr.rel .LBB2_16-.Ltmp19, $2  }
0x1da: {  	_ =	sdelay $0x2  }
0x1db: {  	v7 =	vmov v2  }
.LBB2_27:
0x1dc: {  	_ =	sfence.sel $0x180000  }
0x1dd: {  	[bflag:$0x0] =	sbarrier.arrive $0xFFFF  }
0x1de: {  	_ =	strace $0x90000047  }
0x1df: {  	s0 =	sadd.s32 @!p1 $0x100000, s0;
	[bflag:$0x2] =	sbarrier.arrive $0xFFFF  }
0x1e0: {  	[sflag:s0] =	ssyncadd.tile.s32 @!p1 $0x1;
	_ =	shalt  }
.Lfunc_end2:
_tile_overlayer_lowered:
.L_overlay_start_2:
0x1e1: {  	(tag) =	ssettag $0x2  }
0x1e2: {  	s0 =	rddreg [dreg:$0x0];
	s2 =	stileid.u32  }
0x1e3: {  	s1 =	rddreg [dreg:$0x1];
	p0 =	sne.s32 s2, $0x0  }
0x1e4: {  	s3 =	rddreg [dreg:$0x2];
	[bflag:$0x3] =	sbarrier.arrive $0xFFFF;
	s2 =	simm.s32 @!p0 $0x1C03  }
0x1e5: {  	[timem:s3], [sflag:s2] =	dma.local @!p0 [hbm:s0], s1  }
0x1e6: {  	s0 =	simm.s32 @!p0 $0x3  }
0x1e7: {  	_ =	swait.ge @!p0 [sflag:s0], s1  }
0x1e8: {  	s1 =	ssub.s32 @!p0 $0x0, s1;
	[sflag:s0] =	ssyncset.done @!p0 $0x0  }
0x1e9: {  	[sflag:s0] =	ssyncadd.s32 @!p0 s1  }
0x1ea: {  	[bflag:$0x3] =	sbarrier.arrive $0xFFFF  }
0x1eb: {  	_ =	shalt  }

</sc_bundles>
